<compile_context>
chip_gen: v7x
topology: tpu7x:2x2x1
jax: 0.10.2.dev20260603
libtpu: 0.0.44.dev20260713+nightly
codegen_flags: <defaults>
</compile_context>

<pallas_src>
import functools

import jax
import jax.numpy as jnp
from jax import lax
from jax.experimental import pallas as pl
from jax.experimental.pallas import tpu as pltpu
from jax.experimental.pallas import tpu_sc as plsc

L = 16


@functools.lru_cache(maxsize=None)
def _build(B, T, E):
    W = 2 * E + 1
    info = plsc.get_sparse_core_info()
    NC, NS = info.num_cores, info.num_subcores
    NW = NC * NS
    BPW = B // NW
    GROUPS = BPW // L
    mesh = plsc.VectorSubcoreMesh(core_axis_name="c", subcore_axis_name="s")

    @functools.partial(
        pl.kernel,
        mesh=mesh,
        out_type=jax.ShapeDtypeStruct((B,), jnp.float32),
        compiler_params=pltpu.CompilerParams(needs_layout_passes=False),
        scratch_types=[
            pltpu.VMEM((2 * T,), jnp.float32),
            pltpu.VMEM((2 * BPW,), jnp.float32),
            pltpu.VMEM((2 * BPW,), jnp.int32),
            pltpu.VMEM((2 * BPW,), jnp.float32),
            pltpu.SemaphoreType.DMA,
            pltpu.SemaphoreType.DMA,
            pltpu.SemaphoreType.DMA,
        ],
    )
    def hwnet_sc(tab_hbm, tc_hbm, x_hbm, out_hbm, evvec, xo,
                 ints, flts, sem_t, sem_v, sem_x):
        wid = lax.axis_index("s") * NC + lax.axis_index("c")
        base = wid * BPW
        h_e = pltpu.async_copy(tab_hbm.at[pl.ds(0, T)],
                               evvec.at[pl.ds(0, T)], sem_t)
        h_v = pltpu.async_copy(tab_hbm.at[pl.ds(T, T)],
                               evvec.at[pl.ds(T, T)], sem_v)
        h_x = pltpu.async_copy(x_hbm.at[pl.ds(base, BPW)],
                               xo.at[pl.ds(0, BPW)], sem_x)
        h_x.wait()
        h_e.wait()

        LOG = T.bit_length() - 1

        def lower_bound_n(keys):
            n = len(keys)

            def body(i, carry):
                ps = carry[:n]
                half = carry[n]
                hm1 = half - 1
                vs = [plsc.load_gather(evvec, [p + hm1]) for p in ps]
                ps = [jnp.where(v < k, p + half, p)
                      for v, k, p in zip(vs, keys, ps)]
                return (*ps, half >> 1)

            z = jnp.zeros((L,), jnp.int32)
            h0 = jnp.full((L,), T // 2, jnp.int32)
            out = lax.fori_loop(0, LOG, body, (z,) * n + (h0,))
            return out[:n]

        def nearest(x, pos):
            a = jnp.maximum(pos - 1, 0)
            ea = plsc.load_gather(evvec, [a])
            eb = plsc.load_gather(evvec, [pos])
            ra = x - ea
            rb = x - eb
            da = ra * ra
            db = rb * rb
            take_a = da <= db
            vstar = jnp.where(take_a, ea, eb)
            dmin = jnp.minimum(da, db)
            cand = jnp.where(take_a, a, pos)
            return vstar, dmin, cand

        SW = 4

        def search_quad(jj, _):
            j0 = jj * SW
            xs = [xo[pl.ds((j0 + k) * L, L)] for k in range(SW)]
            poss = lower_bound_n(xs)
            vdc = [nearest(x, p) for x, p in zip(xs, poss)]
            vs = [t[0] for t in vdc]
            dmins = [t[1] for t in vdc]
            cs = [t[2] for t in vdc]
            pas = [plsc.load_gather(evvec, [jnp.maximum(c - 1, 0)])
                   for c in cs]
            dups = [(pa == v) & (c > 0) for pa, v, c in zip(pas, vs, cs)]
            any_dup = functools.reduce(
                lambda a, b: a | b, [jnp.any(d) for d in dups])

            def slow(_):
                fs = lower_bound_n(vs)
                return tuple(jnp.where(d, f, c)
                             for d, f, c in zip(dups, fs, cs))

            idxs = lax.cond(any_dup, slow, lambda _: tuple(cs), 0)

            for k in range(SW):
                o = (j0 + k) * L
                ints[pl.ds(o, L)] = idxs[k]
                ints[pl.ds(BPW + o, L)] = (
                    jnp.clip(idxs[k], E, T - E - 1) - E)
                flts[pl.ds(o, L)] = dmins[k]
            return 0

        lax.fori_loop(0, GROUPS // SW, search_quad, 0)

        pltpu.async_copy(tc_hbm.at[ints.at[pl.ds(0, BPW)]],
                         flts.at[pl.ds(BPW, BPW)], sem_x).wait()
        h_v.wait()

        def window_pair(jj, _):
            j0 = jj * 2
            o0 = j0 * L
            o1 = j0 * L + L
            x0 = xo[pl.ds(o0, L)]
            x1 = xo[pl.ds(o1, L)]
            s0 = ints[pl.ds(BPW + o0, L)]
            s1 = ints[pl.ds(BPW + o1, L)]
            dmin0 = flts[pl.ds(o0, L)]
            dmin1 = flts[pl.ds(o1, L)]
            tc0 = flts[pl.ds(BPW + o0, L)]
            tc1 = flts[pl.ds(BPW + o1, L)]

            zero = jnp.zeros((L,), jnp.float32)

            @plsc.parallel_loop(0, W, 1, unroll=8,
                                carry=(zero, zero, zero, zero))
            def wresult(w, carry):
                n0, d0, n1, d1 = carry
                i0 = s0 + w
                i1 = s1 + w
                ew0 = plsc.load_gather(evvec, [i0])
                vw0 = plsc.load_gather(evvec, [i0 + T])
                ew1 = plsc.load_gather(evvec, [i1])
                vw1 = plsc.load_gather(evvec, [i1 + T])
                r0 = x0 - ew0
                r1 = x1 - ew1
                e0 = jnp.exp(tc0 * (dmin0 - r0 * r0))
                e1 = jnp.exp(tc1 * (dmin1 - r1 * r1))
                return (n0 + vw0 * e0, d0 + e0, n1 + vw1 * e1, d1 + e1)

            n0, d0, n1, d1 = wresult
            xo[pl.ds(BPW + o0, L)] = n0 / d0
            xo[pl.ds(BPW + o1, L)] = n1 / d1
            return 0

        lax.fori_loop(0, GROUPS // 2, window_pair, 0)
        pltpu.sync_copy(xo.at[pl.ds(BPW, BPW)],
                        out_hbm.at[pl.ds(base, BPW)])

    return hwnet_sc


def kernel(inputs, evaluate_table, takecare_table, vector_table, idx_table):
    B = inputs.shape[0]
    T = evaluate_table.shape[0]
    E = (idx_table.shape[0] - 1) // 2
    D = vector_table.shape[1]
    assert D == 1
    tables = jnp.concatenate(
        [evaluate_table.reshape(T), vector_table.reshape(T)])
    fn = _build(B, T, E)
    out = fn(tables, takecare_table.reshape(T), inputs.reshape(B))
    return out.reshape(B, D)

# --- scband reference (transcript-rebuilt; emitter-appended) ---
"""Pipeline reference for scband-hwnet-base-9096740733130 (READ-ONLY COPY).

The authoritative reference and input builder live on the scoring server;
editing this copy changes nothing except your own understanding.
"""

import jax, jax.numpy as jnp
import numpy as np

B = 4096
T = 16384
E = 64
D = 1


def setup_inputs(seed: int = 0) -> dict:
    key = jax.random.key(seed)
    k1, k2, k3, k4 = jax.random.split(key, 4)
    inputs = jax.random.normal(k1, (B, 1), dtype=jnp.float32)
    # evaluate_table: sorted 1-D grid of reference values, shape [T, 1]
    evaluate_table = jnp.sort(jax.random.normal(k2, (T,), dtype=jnp.float32) * 2.0).reshape(T, 1)
    # takecare_table: positive sharpness coefficients, shape [T, 1]
    takecare_table = jax.random.uniform(k3, (T, 1), dtype=jnp.float32) * 50.0 + 1.0
    # vector_table: trainable values, shape [T, D]
    vector_table = jax.random.normal(k4, (T, D), dtype=jnp.float32)
    # idx_table: relative window offsets [-E, ..., E]
    idx_table = jnp.arange(-E, E + 1, dtype=jnp.int32)
    return {
        'inputs': inputs,
        'evaluate_table': evaluate_table,
        'takecare_table': takecare_table,
        'vector_table': vector_table,
        'idx_table': idx_table,
    }


def reference(inputs, evaluate_table, takecare_table, vector_table, idx_table):
    edge = (idx_table.shape[0] - 1) // 2
    table_len = evaluate_table.shape[0]
    idx_min = edge
    idx_max = table_len - edge - 1
    # inputs: [B, 1] -> [B, 1, 1]
    x = inputs[..., None]
    # distance: [B, 1, 1] - [1, T, 1] -> [B, T, 1]
    distance = (x - evaluate_table[None, :, :]) ** 2
    # nearest-neighbor index over the table axis: [B, 1]
    idx = jnp.argmin(distance, axis=-2)
    # takecare lookup: [B, 1] into [T, 1] -> [B, 1, 1]
    takecare = jnp.take(takecare_table, idx, axis=0)
    idx_clip = jnp.clip(idx, idx_min, idx_max)
    # window indices: [B, 1] + [1, W] -> [B, W]
    idx_win = idx_clip + idx_table[None, :]
    # gathers: [B, W, 1] and [B, W, D]
    evaluate = jnp.take(evaluate_table, idx_win, axis=0)
    vector = jnp.take(vector_table, idx_win, axis=0)
    # score: [B, W, 1]
    score = (x - evaluate) ** 2
    score = score * (-1.0) * takecare
    score = jax.nn.softmax(score, axis=-2)
    # weighted sum over window: [B, D]
    outputs = jnp.sum(vector * score, axis=-2)
    return outputs

if __name__ == "__main__":
    import jax
    _d = setup_inputs()
    print(jax.jit(kernel)(*tuple(_d.values())))

</pallas_src>

<mosaic_0001>
#map = affine_map<(d0, d1) -> (0)>
module attributes {stable_mosaic.version = 14 : i64} {
  func.func @hwnet_sc(%arg0: i32, %arg1: i32, %arg2: memref<32768xf32, #tpu.memory_space<hbm>>, %arg3: memref<16384xf32, #tpu.memory_space<hbm>>, %arg4: memref<4096xf32, #tpu.memory_space<hbm>>, %arg5: memref<4096xf32, #tpu.memory_space<hbm>>, %arg6: memref<32768xf32, #tpu.memory_space<vmem>>, %arg7: memref<256xf32, #tpu.memory_space<vmem>>, %arg8: memref<256xi32, #tpu.memory_space<vmem>>, %arg9: memref<256xf32, #tpu.memory_space<vmem>>, %arg10: memref<!tpu.dma_semaphore, #tpu.memory_space<semaphore_mem>>, %arg11: memref<!tpu.dma_semaphore, #tpu.memory_space<semaphore_mem>>, %arg12: memref<!tpu.dma_semaphore, #tpu.memory_space<semaphore_mem>>) attributes {dimension_semantics = [#tpu.dimension_semantics<core_parallel>, #tpu.dimension_semantics<subcore_parallel>], iteration_bounds = array<i64: 2, 16>, scalar_prefetch = 0 : i64, scratch_operands = 7 : i64, tpu.core_type = #tpu.core_type<sc_vector_subcore>, window_params = [{transform_indices = #map}, {transform_indices = #map}, {transform_indices = #map}, {transform_indices = #map}]} {
    %mul3A = arith.constant 2 : i32
    %mul3A_0 = arith.muli %arg1, %mul3A : i32
    %add3A = arith.addi %mul3A_0, %arg0 : i32
    %mul3A_1 = arith.constant 128 : i32
    %mul3A_2 = arith.muli %add3A, %mul3A_1 : i32
    %dma_start3A = arith.constant 0 : i32
    %dma_start3A_3 = tpu.memref_slice %arg6[%dma_start3A] : memref<32768xf32, #tpu.memory_space<vmem>> -> memref<16384xf32, #tpu.memory_space<vmem>>
    %dma_start3A_4 = arith.constant 0 : i32
    %dma_start3A_5 = tpu.memref_slice %arg2[%dma_start3A_4] : memref<32768xf32, #tpu.memory_space<hbm>> -> memref<16384xf32, #tpu.memory_space<hbm>>
    %dma_start3A_6 = arith.constant 0 : i32
    %dma_start3A_7 = tpu.memref_slice %arg6[%dma_start3A_6] : memref<32768xf32, #tpu.memory_space<vmem>> -> memref<16384xf32, #tpu.memory_space<vmem>>
    %dma_start3A_8 = arith.constant 0 : i32
    %dma_start3A_9 = tpu.memref_slice %arg2[%dma_start3A_8] : memref<32768xf32, #tpu.memory_space<hbm>> -> memref<16384xf32, #tpu.memory_space<hbm>>
    tpu.enqueue_dma source(%dma_start3A_9 : memref<16384xf32, #tpu.memory_space<hbm>>) target(%dma_start3A_7 : memref<16384xf32, #tpu.memory_space<vmem>>) target_semaphore(%arg10 : memref<!tpu.dma_semaphore, #tpu.memory_space<semaphore_mem>>)
    %dma_start3A_10 = arith.constant 16384 : i32
    %dma_start3A_11 = tpu.memref_slice %arg6[%dma_start3A_10] : memref<32768xf32, #tpu.memory_space<vmem>> -> memref<16384xf32, #tpu.memory_space<vmem>>
    %dma_start3A_12 = arith.constant 16384 : i32
    %dma_start3A_13 = tpu.memref_slice %arg2[%dma_start3A_12] : memref<32768xf32, #tpu.memory_space<hbm>> -> memref<16384xf32, #tpu.memory_space<hbm>>
    %dma_start3A_14 = arith.constant 16384 : i32
    %dma_start3A_15 = tpu.memref_slice %arg6[%dma_start3A_14] : memref<32768xf32, #tpu.memory_space<vmem>> -> memref<16384xf32, #tpu.memory_space<vmem>>
    %dma_start3A_16 = arith.constant 16384 : i32
    %dma_start3A_17 = tpu.memref_slice %arg2[%dma_start3A_16] : memref<32768xf32, #tpu.memory_space<hbm>> -> memref<16384xf32, #tpu.memory_space<hbm>>
    tpu.enqueue_dma source(%dma_start3A_17 : memref<16384xf32, #tpu.memory_space<hbm>>) target(%dma_start3A_15 : memref<16384xf32, #tpu.memory_space<vmem>>) target_semaphore(%arg11 : memref<!tpu.dma_semaphore, #tpu.memory_space<semaphore_mem>>)
    %dma_start3A_18 = arith.constant 0 : i32
    %dma_start3A_19 = tpu.memref_slice %arg7[%dma_start3A_18] : memref<256xf32, #tpu.memory_space<vmem>> -> memref<128xf32, #tpu.memory_space<vmem>>
    %dma_start3A_20 = tpu.memref_slice %arg4[%mul3A_2] : memref<4096xf32, #tpu.memory_space<hbm>> -> memref<128xf32, #tpu.memory_space<hbm>>
    %dma_start3A_21 = arith.constant 0 : i32
    %dma_start3A_22 = tpu.memref_slice %arg7[%dma_start3A_21] : memref<256xf32, #tpu.memory_space<vmem>> -> memref<128xf32, #tpu.memory_space<vmem>>
    %dma_start3A_23 = tpu.memref_slice %arg4[%mul3A_2] : memref<4096xf32, #tpu.memory_space<hbm>> -> memref<128xf32, #tpu.memory_space<hbm>>
    tpu.enqueue_dma source(%dma_start3A_23 : memref<128xf32, #tpu.memory_space<hbm>>) target(%dma_start3A_22 : memref<128xf32, #tpu.memory_space<vmem>>) target_semaphore(%arg12 : memref<!tpu.dma_semaphore, #tpu.memory_space<semaphore_mem>>)
    %dma_wait3A = arith.constant 0 : i32
    %dma_wait3A_24 = tpu.memref_slice %arg7[%dma_wait3A] : memref<256xf32, #tpu.memory_space<vmem>> -> memref<128xf32, #tpu.memory_space<vmem>>
    %dma_wait3A_25 = tpu.memref_slice %arg4[%mul3A_2] : memref<4096xf32, #tpu.memory_space<hbm>> -> memref<128xf32, #tpu.memory_space<hbm>>
    %dma_wait3A_26 = arith.constant 0 : i32
    %dma_wait3A_27 = tpu.memref_slice %arg7[%dma_wait3A_26] : memref<256xf32, #tpu.memory_space<vmem>> -> memref<128xf32, #tpu.memory_space<vmem>>
    %dma_wait3A_28 = tpu.memref_slice %arg4[%mul3A_2] : memref<4096xf32, #tpu.memory_space<hbm>> -> memref<128xf32, #tpu.memory_space<hbm>>
    tpu.wait_dma2 semaphore(%arg12 : memref<!tpu.dma_semaphore, #tpu.memory_space<semaphore_mem>>) src(%dma_wait3A_28 : memref<128xf32, #tpu.memory_space<hbm>>) dst(%dma_wait3A_27 : memref<128xf32, #tpu.memory_space<vmem>>)
    %dma_wait3A_29 = arith.constant 0 : i32
    %dma_wait3A_30 = tpu.memref_slice %arg6[%dma_wait3A_29] : memref<32768xf32, #tpu.memory_space<vmem>> -> memref<16384xf32, #tpu.memory_space<vmem>>
    %dma_wait3A_31 = arith.constant 0 : i32
    %dma_wait3A_32 = tpu.memref_slice %arg2[%dma_wait3A_31] : memref<32768xf32, #tpu.memory_space<hbm>> -> memref<16384xf32, #tpu.memory_space<hbm>>
    %dma_wait3A_33 = arith.constant 0 : i32
    %dma_wait3A_34 = tpu.memref_slice %arg6[%dma_wait3A_33] : memref<32768xf32, #tpu.memory_space<vmem>> -> memref<16384xf32, #tpu.memory_space<vmem>>
    %dma_wait3A_35 = arith.constant 0 : i32
    %dma_wait3A_36 = tpu.memref_slice %arg2[%dma_wait3A_35] : memref<32768xf32, #tpu.memory_space<hbm>> -> memref<16384xf32, #tpu.memory_space<hbm>>
    tpu.wait_dma2 semaphore(%arg10 : memref<!tpu.dma_semaphore, #tpu.memory_space<semaphore_mem>>) src(%dma_wait3A_36 : memref<16384xf32, #tpu.memory_space<hbm>>) dst(%dma_wait3A_34 : memref<16384xf32, #tpu.memory_space<vmem>>)
    %scan3A = arith.constant 0 : i32
    %scan3A_37 = arith.constant 0 : i32
    %scan3A_38 = arith.constant 2 : i32
    %scan3A_39 = arith.addi %scan3A_37, %scan3A_38 : i32
    %scan3A_40 = arith.constant 1 : i32
    %scan3A_41 = scf.for %scan3A_70 = %scan3A_37 to %scan3A_39 step %scan3A_40 iter_args(%scan3A_71 = %scan3A) -> (i32)  : i32 {
      %mul3A_72 = arith.constant 4 : i32
      %mul3A_73 = arith.muli %scan3A_70, %mul3A_72 : i32
      %add3A_74 = arith.constant 0 : i32
      %add3A_75 = arith.addi %mul3A_73, %add3A_74 : i32
      %mul3A_76 = arith.constant 16 : i32
      %mul3A_77 = arith.muli %add3A_75, %mul3A_76 : i32
      %get3A = arith.index_cast %mul3A_77 : i32 to index
      %get3A_78 = tpu.vector_load %arg7[%get3A] {strides = array<i32>} : memref<256xf32, #tpu.memory_space<vmem>>, vector<16xf32>,
      %add3A_79 = arith.constant 1 : i32
      %add3A_80 = arith.addi %mul3A_73, %add3A_79 : i32
      %mul3A_81 = arith.constant 16 : i32
      %mul3A_82 = arith.muli %add3A_80, %mul3A_81 : i32
      %get3A_83 = arith.index_cast %mul3A_82 : i32 to index
      %get3A_84 = tpu.vector_load %arg7[%get3A_83] {strides = array<i32>} : memref<256xf32, #tpu.memory_space<vmem>>, vector<16xf32>,
      %add3A_85 = arith.constant 2 : i32
      %add3A_86 = arith.addi %mul3A_73, %add3A_85 : i32
      %mul3A_87 = arith.constant 16 : i32
      %mul3A_88 = arith.muli %add3A_86, %mul3A_87 : i32
      %get3A_89 = arith.index_cast %mul3A_88 : i32 to index
      %get3A_90 = tpu.vector_load %arg7[%get3A_89] {strides = array<i32>} : memref<256xf32, #tpu.memory_space<vmem>>, vector<16xf32>,
      %add3A_91 = arith.constant 3 : i32
      %add3A_92 = arith.addi %mul3A_73, %add3A_91 : i32
      %mul3A_93 = arith.constant 16 : i32
      %mul3A_94 = arith.muli %add3A_92, %mul3A_93 : i32
      %get3A_95 = arith.index_cast %mul3A_94 : i32 to index
      %get3A_96 = tpu.vector_load %arg7[%get3A_95] {strides = array<i32>} : memref<256xf32, #tpu.memory_space<vmem>>, vector<16xf32>,
      %broadcast_in_dim3A = arith.constant 0 : i32
      %broadcast_in_dim3A_97 = vector.broadcast %broadcast_in_dim3A : i32 to vector<16xi32>
      %broadcast_in_dim3A_98 = arith.constant 8192 : i32
      %broadcast_in_dim3A_99 = vector.broadcast %broadcast_in_dim3A_98 : i32 to vector<16xi32>
      %scan3A_100 = arith.constant 0 : i32
      %scan3A_101 = arith.constant 14 : i32
      %scan3A_102 = arith.addi %scan3A_100, %scan3A_101 : i32
      %scan3A_103 = arith.constant 1 : i32
      %scan3A_104:5 = scf.for %scan3A_340 = %scan3A_100 to %scan3A_102 step %scan3A_103 iter_args(%scan3A_341 = %broadcast_in_dim3A_97, %scan3A_342 = %broadcast_in_dim3A_97, %scan3A_343 = %broadcast_in_dim3A_97, %scan3A_344 = %broadcast_in_dim3A_97, %scan3A_345 = %broadcast_in_dim3A_99) -> (vector<16xi32>, vector<16xi32>, vector<16xi32>, vector<16xi32>, vector<16xi32>)  : i32 {
        %sub3A_346 = arith.constant 1 : i32
        %sub3A_347 = vector.broadcast %sub3A_346 : i32 to vector<16xi32>
        %sub3A_348 = arith.subi %scan3A_345, %sub3A_347 : vector<16xi32>
        %add3A_349 = arith.addi %scan3A_341, %sub3A_348 : vector<16xi32>
        %gather3A_350 = tpu.vector_load_idx %arg6[%add3A_349] : memref<32768xf32, #tpu.memory_space<vmem>>[vector<16xi32>], vector<16xf32>,
        %add3A_351 = arith.addi %scan3A_342, %sub3A_348 : vector<16xi32>
        %gather3A_352 = tpu.vector_load_idx %arg6[%add3A_351] : memref<32768xf32, #tpu.memory_space<vmem>>[vector<16xi32>], vector<16xf32>,
        %add3A_353 = arith.addi %scan3A_343, %sub3A_348 : vector<16xi32>
        %gather3A_354 = tpu.vector_load_idx %arg6[%add3A_353] : memref<32768xf32, #tpu.memory_space<vmem>>[vector<16xi32>], vector<16xf32>,
        %add3A_355 = arith.addi %scan3A_344, %sub3A_348 : vector<16xi32>
        %gather3A_356 = tpu.vector_load_idx %arg6[%add3A_355] : memref<32768xf32, #tpu.memory_space<vmem>>[vector<16xi32>], vector<16xf32>,
        %lt3A = arith.cmpf olt, %gather3A_350, %get3A_78 : vector<16xf32>
        %add3A_357 = arith.addi %scan3A_341, %scan3A_345 : vector<16xi32>
        %select_n3A_358 = arith.select %lt3A, %add3A_357, %scan3A_341 : vector<16xi1>, vector<16xi32>
        %lt3A_359 = arith.cmpf olt, %gather3A_352, %get3A_84 : vector<16xf32>
        %add3A_360 = arith.addi %scan3A_342, %scan3A_345 : vector<16xi32>
        %select_n3A_361 = arith.select %lt3A_359, %add3A_360, %scan3A_342 : vector<16xi1>, vector<16xi32>
        %lt3A_362 = arith.cmpf olt, %gather3A_354, %get3A_90 : vector<16xf32>
        %add3A_363 = arith.addi %scan3A_343, %scan3A_345 : vector<16xi32>
        %select_n3A_364 = arith.select %lt3A_362, %add3A_363, %scan3A_343 : vector<16xi1>, vector<16xi32>
        %lt3A_365 = arith.cmpf olt, %gather3A_356, %get3A_96 : vector<16xf32>
        %add3A_366 = arith.addi %scan3A_344, %scan3A_345 : vector<16xi32>
        %select_n3A_367 = arith.select %lt3A_365, %add3A_366, %scan3A_344 : vector<16xi1>, vector<16xi32>
        %shift_right_arithmetic3A = arith.constant 1 : i32
        %shift_right_arithmetic3A_368 = vector.broadcast %shift_right_arithmetic3A : i32 to vector<16xi32>
        %shift_right_arithmetic3A_369 = arith.shrsi %scan3A_345, %shift_right_arithmetic3A_368 : vector<16xi32>
        scf.yield %select_n3A_358, %select_n3A_361, %select_n3A_364, %select_n3A_367, %shift_right_arithmetic3A_369 : vector<16xi32>, vector<16xi32>, vector<16xi32>, vector<16xi32>, vector<16xi32>
      }
      %scan3A_105 = arith.constant 14 : i32
      %sub3A = arith.constant 1 : i32
      %sub3A_106 = vector.broadcast %sub3A : i32 to vector<16xi32>
      %sub3A_107 = arith.subi %scan3A_104#0, %sub3A_106 : vector<16xi32>
      %max3A = arith.constant 0 : i32
      %max3A_108 = vector.broadcast %max3A : i32 to vector<16xi32>
      %max3A_109 = arith.maxsi %sub3A_107, %max3A_108 : vector<16xi32>
      %gather3A = tpu.vector_load_idx %arg6[%max3A_109] : memref<32768xf32, #tpu.memory_space<vmem>>[vector<16xi32>], vector<16xf32>,
      %gather3A_110 = tpu.vector_load_idx %arg6[%scan3A_104#0] : memref<32768xf32, #tpu.memory_space<vmem>>[vector<16xi32>], vector<16xf32>,
      %sub3A_111 = arith.subf %get3A_78, %gather3A : vector<16xf32>
      %sub3A_112 = arith.subf %get3A_78, %gather3A_110 : vector<16xf32>
      %mul3A_113 = arith.mulf %sub3A_111, %sub3A_111 : vector<16xf32>
      %mul3A_114 = arith.mulf %sub3A_112, %sub3A_112 : vector<16xf32>
      %le3A = arith.cmpf ole, %mul3A_113, %mul3A_114 : vector<16xf32>
      %select_n3A = arith.select %le3A, %gather3A, %gather3A_110 : vector<16xi1>, vector<16xf32>
      %min3A = arith.minimumf %mul3A_113, %mul3A_114 : vector<16xf32>
      %select_n3A_115 = arith.select %le3A, %max3A_109, %scan3A_104#0 : vector<16xi1>, vector<16xi32>
      %sub3A_116 = arith.constant 1 : i32
      %sub3A_117 = vector.broadcast %sub3A_116 : i32 to vector<16xi32>
      %sub3A_118 = arith.subi %scan3A_104#1, %sub3A_117 : vector<16xi32>
      %max3A_119 = arith.constant 0 : i32
      %max3A_120 = vector.broadcast %max3A_119 : i32 to vector<16xi32>
      %max3A_121 = arith.maxsi %sub3A_118, %max3A_120 : vector<16xi32>
      %gather3A_122 = tpu.vector_load_idx %arg6[%max3A_121] : memref<32768xf32, #tpu.memory_space<vmem>>[vector<16xi32>], vector<16xf32>,
      %gather3A_123 = tpu.vector_load_idx %arg6[%scan3A_104#1] : memref<32768xf32, #tpu.memory_space<vmem>>[vector<16xi32>], vector<16xf32>,
      %sub3A_124 = arith.subf %get3A_84, %gather3A_122 : vector<16xf32>
      %sub3A_125 = arith.subf %get3A_84, %gather3A_123 : vector<16xf32>
      %mul3A_126 = arith.mulf %sub3A_124, %sub3A_124 : vector<16xf32>
      %mul3A_127 = arith.mulf %sub3A_125, %sub3A_125 : vector<16xf32>
      %le3A_128 = arith.cmpf ole, %mul3A_126, %mul3A_127 : vector<16xf32>
      %select_n3A_129 = arith.select %le3A_128, %gather3A_122, %gather3A_123 : vector<16xi1>, vector<16xf32>
      %min3A_130 = arith.minimumf %mul3A_126, %mul3A_127 : vector<16xf32>
      %select_n3A_131 = arith.select %le3A_128, %max3A_121, %scan3A_104#1 : vector<16xi1>, vector<16xi32>
      %sub3A_132 = arith.constant 1 : i32
      %sub3A_133 = vector.broadcast %sub3A_132 : i32 to vector<16xi32>
      %sub3A_134 = arith.subi %scan3A_104#2, %sub3A_133 : vector<16xi32>
      %max3A_135 = arith.constant 0 : i32
      %max3A_136 = vector.broadcast %max3A_135 : i32 to vector<16xi32>
      %max3A_137 = arith.maxsi %sub3A_134, %max3A_136 : vector<16xi32>
      %gather3A_138 = tpu.vector_load_idx %arg6[%max3A_137] : memref<32768xf32, #tpu.memory_space<vmem>>[vector<16xi32>], vector<16xf32>,
      %gather3A_139 = tpu.vector_load_idx %arg6[%scan3A_104#2] : memref<32768xf32, #tpu.memory_space<vmem>>[vector<16xi32>], vector<16xf32>,
      %sub3A_140 = arith.subf %get3A_90, %gather3A_138 : vector<16xf32>
      %sub3A_141 = arith.subf %get3A_90, %gather3A_139 : vector<16xf32>
      %mul3A_142 = arith.mulf %sub3A_140, %sub3A_140 : vector<16xf32>
      %mul3A_143 = arith.mulf %sub3A_141, %sub3A_141 : vector<16xf32>
      %le3A_144 = arith.cmpf ole, %mul3A_142, %mul3A_143 : vector<16xf32>
      %select_n3A_145 = arith.select %le3A_144, %gather3A_138, %gather3A_139 : vector<16xi1>, vector<16xf32>
      %min3A_146 = arith.minimumf %mul3A_142, %mul3A_143 : vector<16xf32>
      %select_n3A_147 = arith.select %le3A_144, %max3A_137, %scan3A_104#2 : vector<16xi1>, vector<16xi32>
      %sub3A_148 = arith.constant 1 : i32
      %sub3A_149 = vector.broadcast %sub3A_148 : i32 to vector<16xi32>
      %sub3A_150 = arith.subi %scan3A_104#3, %sub3A_149 : vector<16xi32>
      %max3A_151 = arith.constant 0 : i32
      %max3A_152 = vector.broadcast %max3A_151 : i32 to vector<16xi32>
      %max3A_153 = arith.maxsi %sub3A_150, %max3A_152 : vector<16xi32>
      %gather3A_154 = tpu.vector_load_idx %arg6[%max3A_153] : memref<32768xf32, #tpu.memory_space<vmem>>[vector<16xi32>], vector<16xf32>,
      %gather3A_155 = tpu.vector_load_idx %arg6[%scan3A_104#3] : memref<32768xf32, #tpu.memory_space<vmem>>[vector<16xi32>], vector<16xf32>,
      %sub3A_156 = arith.subf %get3A_96, %gather3A_154 : vector<16xf32>
      %sub3A_157 = arith.subf %get3A_96, %gather3A_155 : vector<16xf32>
      %mul3A_158 = arith.mulf %sub3A_156, %sub3A_156 : vector<16xf32>
      %mul3A_159 = arith.mulf %sub3A_157, %sub3A_157 : vector<16xf32>
      %le3A_160 = arith.cmpf ole, %mul3A_158, %mul3A_159 : vector<16xf32>
      %select_n3A_161 = arith.select %le3A_160, %gather3A_154, %gather3A_155 : vector<16xi1>, vector<16xf32>
      %min3A_162 = arith.minimumf %mul3A_158, %mul3A_159 : vector<16xf32>
      %select_n3A_163 = arith.select %le3A_160, %max3A_153, %scan3A_104#3 : vector<16xi1>, vector<16xi32>
      %sub3A_164 = arith.constant 1 : i32
      %sub3A_165 = vector.broadcast %sub3A_164 : i32 to vector<16xi32>
      %sub3A_166 = arith.subi %select_n3A_115, %sub3A_165 : vector<16xi32>
      %max3A_167 = arith.constant 0 : i32
      %max3A_168 = vector.broadcast %max3A_167 : i32 to vector<16xi32>
      %max3A_169 = arith.maxsi %sub3A_166, %max3A_168 : vector<16xi32>
      %gather3A_170 = tpu.vector_load_idx %arg6[%max3A_169] : memref<32768xf32, #tpu.memory_space<vmem>>[vector<16xi32>], vector<16xf32>,
      %sub3A_171 = arith.constant 1 : i32
      %sub3A_172 = vector.broadcast %sub3A_171 : i32 to vector<16xi32>
      %sub3A_173 = arith.subi %select_n3A_131, %sub3A_172 : vector<16xi32>
      %max3A_174 = arith.constant 0 : i32
      %max3A_175 = vector.broadcast %max3A_174 : i32 to vector<16xi32>
      %max3A_176 = arith.maxsi %sub3A_173, %max3A_175 : vector<16xi32>
      %gather3A_177 = tpu.vector_load_idx %arg6[%max3A_176] : memref<32768xf32, #tpu.memory_space<vmem>>[vector<16xi32>], vector<16xf32>,
      %sub3A_178 = arith.constant 1 : i32
      %sub3A_179 = vector.broadcast %sub3A_178 : i32 to vector<16xi32>
      %sub3A_180 = arith.subi %select_n3A_147, %sub3A_179 : vector<16xi32>
      %max3A_181 = arith.constant 0 : i32
      %max3A_182 = vector.broadcast %max3A_181 : i32 to vector<16xi32>
      %max3A_183 = arith.maxsi %sub3A_180, %max3A_182 : vector<16xi32>
      %gather3A_184 = tpu.vector_load_idx %arg6[%max3A_183] : memref<32768xf32, #tpu.memory_space<vmem>>[vector<16xi32>], vector<16xf32>,
      %sub3A_185 = arith.constant 1 : i32
      %sub3A_186 = vector.broadcast %sub3A_185 : i32 to vector<16xi32>
      %sub3A_187 = arith.subi %select_n3A_163, %sub3A_186 : vector<16xi32>
      %max3A_188 = arith.constant 0 : i32
      %max3A_189 = vector.broadcast %max3A_188 : i32 to vector<16xi32>
      %max3A_190 = arith.maxsi %sub3A_187, %max3A_189 : vector<16xi32>
      %gather3A_191 = tpu.vector_load_idx %arg6[%max3A_190] : memref<32768xf32, #tpu.memory_space<vmem>>[vector<16xi32>], vector<16xf32>,
      %eq3A = arith.cmpf oeq, %gather3A_170, %select_n3A : vector<16xf32>
      %gt3A = arith.constant 0 : i32
      %gt3A_192 = vector.broadcast %gt3A : i32 to vector<16xi32>
      %gt3A_193 = arith.cmpi sgt, %select_n3A_115, %gt3A_192 : vector<16xi32>
      %and3A = arith.andi %eq3A, %gt3A_193 : vector<16xi1>
      %eq3A_194 = arith.cmpf oeq, %gather3A_177, %select_n3A_129 : vector<16xf32>
      %gt3A_195 = arith.constant 0 : i32
      %gt3A_196 = vector.broadcast %gt3A_195 : i32 to vector<16xi32>
      %gt3A_197 = arith.cmpi sgt, %select_n3A_131, %gt3A_196 : vector<16xi32>
      %and3A_198 = arith.andi %eq3A_194, %gt3A_197 : vector<16xi1>
      %eq3A_199 = arith.cmpf oeq, %gather3A_184, %select_n3A_145 : vector<16xf32>
      %gt3A_200 = arith.constant 0 : i32
      %gt3A_201 = vector.broadcast %gt3A_200 : i32 to vector<16xi32>
      %gt3A_202 = arith.cmpi sgt, %select_n3A_147, %gt3A_201 : vector<16xi32>
      %and3A_203 = arith.andi %eq3A_199, %gt3A_202 : vector<16xi1>
      %eq3A_204 = arith.cmpf oeq, %gather3A_191, %select_n3A_161 : vector<16xf32>
      %gt3A_205 = arith.constant 0 : i32
      %gt3A_206 = vector.broadcast %gt3A_205 : i32 to vector<16xi32>
      %gt3A_207 = arith.cmpi sgt, %select_n3A_163, %gt3A_206 : vector<16xi32>
      %and3A_208 = arith.andi %eq3A_204, %gt3A_207 : vector<16xi1>
      %reduce_or3A = arith.constant 1.000000e+00 : f32
      %reduce_or3A_209 = arith.constant 0.000000e+00 : f32
      %reduce_or3A_210 = vector.broadcast %reduce_or3A : f32 to vector<16xf32>
      %reduce_or3A_211 = vector.broadcast %reduce_or3A_209 : f32 to vector<16xf32>
      %reduce_or3A_212 = arith.select %and3A, %reduce_or3A_210, %reduce_or3A_211 : vector<16xi1>, vector<16xf32>
      %reduce_or3A_213 = arith.constant true
      %reduce_or3A_214 = vector.broadcast %reduce_or3A_213 : i1 to vector<16xi1>
      %reduce_or3A_215 = tpu.scan <max>, %reduce_or3A_212 masked %reduce_or3A_214 : vector<16xf32>, vector<16xi1> -> vector<16xf32>
      %reduce_or3A_216 = vector.extract %reduce_or3A_215[15] : f32 from vector<16xf32>
      %reduce_or3A_217 = arith.constant 0.000000e+00 : f32
      %reduce_or3A_218 = arith.cmpf ogt, %reduce_or3A_216, %reduce_or3A_217 : f32
      %reduce_or3A_219 = arith.constant 1.000000e+00 : f32
      %reduce_or3A_220 = arith.constant 0.000000e+00 : f32
      %reduce_or3A_221 = vector.broadcast %reduce_or3A_219 : f32 to vector<16xf32>
      %reduce_or3A_222 = vector.broadcast %reduce_or3A_220 : f32 to vector<16xf32>
      %reduce_or3A_223 = arith.select %and3A_198, %reduce_or3A_221, %reduce_or3A_222 : vector<16xi1>, vector<16xf32>
      %reduce_or3A_224 = arith.constant true
      %reduce_or3A_225 = vector.broadcast %reduce_or3A_224 : i1 to vector<16xi1>
      %reduce_or3A_226 = tpu.scan <max>, %reduce_or3A_223 masked %reduce_or3A_225 : vector<16xf32>, vector<16xi1> -> vector<16xf32>
      %reduce_or3A_227 = vector.extract %reduce_or3A_226[15] : f32 from vector<16xf32>
      %reduce_or3A_228 = arith.constant 0.000000e+00 : f32
      %reduce_or3A_229 = arith.cmpf ogt, %reduce_or3A_227, %reduce_or3A_228 : f32
      %reduce_or3A_230 = arith.constant 1.000000e+00 : f32
      %reduce_or3A_231 = arith.constant 0.000000e+00 : f32
      %reduce_or3A_232 = vector.broadcast %reduce_or3A_230 : f32 to vector<16xf32>
      %reduce_or3A_233 = vector.broadcast %reduce_or3A_231 : f32 to vector<16xf32>
      %reduce_or3A_234 = arith.select %and3A_203, %reduce_or3A_232, %reduce_or3A_233 : vector<16xi1>, vector<16xf32>
      %reduce_or3A_235 = arith.constant true
      %reduce_or3A_236 = vector.broadcast %reduce_or3A_235 : i1 to vector<16xi1>
      %reduce_or3A_237 = tpu.scan <max>, %reduce_or3A_234 masked %reduce_or3A_236 : vector<16xf32>, vector<16xi1> -> vector<16xf32>
      %reduce_or3A_238 = vector.extract %reduce_or3A_237[15] : f32 from vector<16xf32>
      %reduce_or3A_239 = arith.constant 0.000000e+00 : f32
      %reduce_or3A_240 = arith.cmpf ogt, %reduce_or3A_238, %reduce_or3A_239 : f32
      %reduce_or3A_241 = arith.constant 1.000000e+00 : f32
      %reduce_or3A_242 = arith.constant 0.000000e+00 : f32
      %reduce_or3A_243 = vector.broadcast %reduce_or3A_241 : f32 to vector<16xf32>
      %reduce_or3A_244 = vector.broadcast %reduce_or3A_242 : f32 to vector<16xf32>
      %reduce_or3A_245 = arith.select %and3A_208, %reduce_or3A_243, %reduce_or3A_244 : vector<16xi1>, vector<16xf32>
      %reduce_or3A_246 = arith.constant true
      %reduce_or3A_247 = vector.broadcast %reduce_or3A_246 : i1 to vector<16xi1>
      %reduce_or3A_248 = tpu.scan <max>, %reduce_or3A_245 masked %reduce_or3A_247 : vector<16xf32>, vector<16xi1> -> vector<16xf32>
      %reduce_or3A_249 = vector.extract %reduce_or3A_248[15] : f32 from vector<16xf32>
      %reduce_or3A_250 = arith.constant 0.000000e+00 : f32
      %reduce_or3A_251 = arith.cmpf ogt, %reduce_or3A_249, %reduce_or3A_250 : f32
      %or3A = arith.ori %reduce_or3A_218, %reduce_or3A_229 : i1
      %or3A_252 = arith.ori %or3A, %reduce_or3A_240 : i1
      %or3A_253 = arith.ori %or3A_252, %reduce_or3A_251 : i1
      %convert_element_type3A = arith.extui %or3A_253 : i1 to i32
      %cond3A = arith.constant 0 : i32
      %cond3A_254 = arith.constant 0 : i32
      %cond3A_255 = arith.cmpi ne, %convert_element_type3A, %cond3A_254 : i32
      %cond3A_256:4 = scf.if %cond3A_255 -> (vector<16xi32>, vector<16xi32>, vector<16xi32>, vector<16xi32>) {
        %broadcast_in_dim3A_340 = arith.constant 0 : i32
        %broadcast_in_dim3A_341 = vector.broadcast %broadcast_in_dim3A_340 : i32 to vector<16xi32>
        %broadcast_in_dim3A_342 = arith.constant 8192 : i32
        %broadcast_in_dim3A_343 = vector.broadcast %broadcast_in_dim3A_342 : i32 to vector<16xi32>
        %scan3A_344 = arith.constant 0 : i32
        %scan3A_345 = arith.constant 14 : i32
        %scan3A_346 = arith.addi %scan3A_344, %scan3A_345 : i32
        %scan3A_347 = arith.constant 1 : i32
        %scan3A_348:5 = scf.for %scan3A_354 = %scan3A_344 to %scan3A_346 step %scan3A_347 iter_args(%scan3A_355 = %broadcast_in_dim3A_341, %scan3A_356 = %broadcast_in_dim3A_341, %scan3A_357 = %broadcast_in_dim3A_341, %scan3A_358 = %broadcast_in_dim3A_341, %scan3A_359 = %broadcast_in_dim3A_343) -> (vector<16xi32>, vector<16xi32>, vector<16xi32>, vector<16xi32>, vector<16xi32>)  : i32 {
          %sub3A_360 = arith.constant 1 : i32
          %sub3A_361 = vector.broadcast %sub3A_360 : i32 to vector<16xi32>
          %sub3A_362 = arith.subi %scan3A_359, %sub3A_361 : vector<16xi32>
          %add3A_363 = arith.addi %scan3A_355, %sub3A_362 : vector<16xi32>
          %gather3A_364 = tpu.vector_load_idx %arg6[%add3A_363] : memref<32768xf32, #tpu.memory_space<vmem>>[vector<16xi32>], vector<16xf32>,
          %add3A_365 = arith.addi %scan3A_356, %sub3A_362 : vector<16xi32>
          %gather3A_366 = tpu.vector_load_idx %arg6[%add3A_365] : memref<32768xf32, #tpu.memory_space<vmem>>[vector<16xi32>], vector<16xf32>,
          %add3A_367 = arith.addi %scan3A_357, %sub3A_362 : vector<16xi32>
          %gather3A_368 = tpu.vector_load_idx %arg6[%add3A_367] : memref<32768xf32, #tpu.memory_space<vmem>>[vector<16xi32>], vector<16xf32>,
          %add3A_369 = arith.addi %scan3A_358, %sub3A_362 : vector<16xi32>
          %gather3A_370 = tpu.vector_load_idx %arg6[%add3A_369] : memref<32768xf32, #tpu.memory_space<vmem>>[vector<16xi32>], vector<16xf32>,
          %lt3A = arith.cmpf olt, %gather3A_364, %select_n3A : vector<16xf32>
          %add3A_371 = arith.addi %scan3A_355, %scan3A_359 : vector<16xi32>
          %select_n3A_372 = arith.select %lt3A, %add3A_371, %scan3A_355 : vector<16xi1>, vector<16xi32>
          %lt3A_373 = arith.cmpf olt, %gather3A_366, %select_n3A_129 : vector<16xf32>
          %add3A_374 = arith.addi %scan3A_356, %scan3A_359 : vector<16xi32>
          %select_n3A_375 = arith.select %lt3A_373, %add3A_374, %scan3A_356 : vector<16xi1>, vector<16xi32>
          %lt3A_376 = arith.cmpf olt, %gather3A_368, %select_n3A_145 : vector<16xf32>
          %add3A_377 = arith.addi %scan3A_357, %scan3A_359 : vector<16xi32>
          %select_n3A_378 = arith.select %lt3A_376, %add3A_377, %scan3A_357 : vector<16xi1>, vector<16xi32>
          %lt3A_379 = arith.cmpf olt, %gather3A_370, %select_n3A_161 : vector<16xf32>
          %add3A_380 = arith.addi %scan3A_358, %scan3A_359 : vector<16xi32>
          %select_n3A_381 = arith.select %lt3A_379, %add3A_380, %scan3A_358 : vector<16xi1>, vector<16xi32>
          %shift_right_arithmetic3A = arith.constant 1 : i32
          %shift_right_arithmetic3A_382 = vector.broadcast %shift_right_arithmetic3A : i32 to vector<16xi32>
          %shift_right_arithmetic3A_383 = arith.shrsi %scan3A_359, %shift_right_arithmetic3A_382 : vector<16xi32>
          scf.yield %select_n3A_372, %select_n3A_375, %select_n3A_378, %select_n3A_381, %shift_right_arithmetic3A_383 : vector<16xi32>, vector<16xi32>, vector<16xi32>, vector<16xi32>, vector<16xi32>
        }
        %scan3A_349 = arith.constant 14 : i32
        %select_n3A_350 = arith.select %and3A, %scan3A_348#0, %select_n3A_115 : vector<16xi1>, vector<16xi32>
        %select_n3A_351 = arith.select %and3A_198, %scan3A_348#1, %select_n3A_131 : vector<16xi1>, vector<16xi32>
        %select_n3A_352 = arith.select %and3A_203, %scan3A_348#2, %select_n3A_147 : vector<16xi1>, vector<16xi32>
        %select_n3A_353 = arith.select %and3A_208, %scan3A_348#3, %select_n3A_163 : vector<16xi1>, vector<16xi32>
        scf.yield %select_n3A_350, %select_n3A_351, %select_n3A_352, %select_n3A_353 : vector<16xi32>, vector<16xi32>, vector<16xi32>, vector<16xi32>
      } else {
        scf.yield %select_n3A_115, %select_n3A_131, %select_n3A_147, %select_n3A_163 : vector<16xi32>, vector<16xi32>, vector<16xi32>, vector<16xi32>
      }
      %add3A_257 = arith.constant 0 : i32
      %add3A_258 = arith.addi %mul3A_73, %add3A_257 : i32
      %mul3A_259 = arith.constant 16 : i32
      %mul3A_260 = arith.muli %add3A_258, %mul3A_259 : i32
      %swap3A = arith.index_cast %mul3A_260 : i32 to index
      %swap3A_261 = tpu.vector_load %arg8[%swap3A] {strides = array<i32>} : memref<256xi32, #tpu.memory_space<vmem>>, vector<16xi32>,
      tpu.vector_store %arg8[%swap3A], %cond3A_256#0 {strides = array<i32>} : memref<256xi32, #tpu.memory_space<vmem>>, vector<16xi32>,
      %jit3A = arith.constant 64 : i32
      %jit3A_262 = arith.constant 16319 : i32
      %max3A_263 = vector.broadcast %jit3A : i32 to vector<16xi32>
      %max3A_264 = arith.maxsi %max3A_263, %cond3A_256#0 : vector<16xi32>
      %min3A_265 = vector.broadcast %jit3A_262 : i32 to vector<16xi32>
      %min3A_266 = arith.minsi %min3A_265, %max3A_264 : vector<16xi32>
      %sub3A_267 = arith.constant 64 : i32
      %sub3A_268 = vector.broadcast %sub3A_267 : i32 to vector<16xi32>
      %sub3A_269 = arith.subi %min3A_266, %sub3A_268 : vector<16xi32>
      %add3A_270 = arith.constant 128 : i32
      %add3A_271 = arith.addi %add3A_270, %mul3A_260 : i32
      %swap3A_272 = arith.index_cast %add3A_271 : i32 to index
      %swap3A_273 = tpu.vector_load %arg8[%swap3A_272] {strides = array<i32>} : memref<256xi32, #tpu.memory_space<vmem>>, vector<16xi32>,
      tpu.vector_store %arg8[%swap3A_272], %sub3A_269 {strides = array<i32>} : memref<256xi32, #tpu.memory_space<vmem>>, vector<16xi32>,
      %swap3A_274 = arith.index_cast %mul3A_260 : i32 to index
      %swap3A_275 = tpu.vector_load %arg9[%swap3A_274] {strides = array<i32>} : memref<256xf32, #tpu.memory_space<vmem>>, vector<16xf32>,
      tpu.vector_store %arg9[%swap3A_274], %min3A {strides = array<i32>} : memref<256xf32, #tpu.memory_space<vmem>>, vector<16xf32>,
      %add3A_276 = arith.constant 1 : i32
      %add3A_277 = arith.addi %mul3A_73, %add3A_276 : i32
      %mul3A_278 = arith.constant 16 : i32
      %mul3A_279 = arith.muli %add3A_277, %mul3A_278 : i32
      %swap3A_280 = arith.index_cast %mul3A_279 : i32 to index
      %swap3A_281 = tpu.vector_load %arg8[%swap3A_280] {strides = array<i32>} : memref<256xi32, #tpu.memory_space<vmem>>, vector<16xi32>,
      tpu.vector_store %arg8[%swap3A_280], %cond3A_256#1 {strides = array<i32>} : memref<256xi32, #tpu.memory_space<vmem>>, vector<16xi32>,
      %jit3A_282 = arith.constant 64 : i32
      %jit3A_283 = arith.constant 16319 : i32
      %max3A_284 = vector.broadcast %jit3A_282 : i32 to vector<16xi32>
      %max3A_285 = arith.maxsi %max3A_284, %cond3A_256#1 : vector<16xi32>
      %min3A_286 = vector.broadcast %jit3A_283 : i32 to vector<16xi32>
      %min3A_287 = arith.minsi %min3A_286, %max3A_285 : vector<16xi32>
      %sub3A_288 = arith.constant 64 : i32
      %sub3A_289 = vector.broadcast %sub3A_288 : i32 to vector<16xi32>
      %sub3A_290 = arith.subi %min3A_287, %sub3A_289 : vector<16xi32>
      %add3A_291 = arith.constant 128 : i32
      %add3A_292 = arith.addi %add3A_291, %mul3A_279 : i32
      %swap3A_293 = arith.index_cast %add3A_292 : i32 to index
      %swap3A_294 = tpu.vector_load %arg8[%swap3A_293] {strides = array<i32>} : memref<256xi32, #tpu.memory_space<vmem>>, vector<16xi32>,
      tpu.vector_store %arg8[%swap3A_293], %sub3A_290 {strides = array<i32>} : memref<256xi32, #tpu.memory_space<vmem>>, vector<16xi32>,
      %swap3A_295 = arith.index_cast %mul3A_279 : i32 to index
      %swap3A_296 = tpu.vector_load %arg9[%swap3A_295] {strides = array<i32>} : memref<256xf32, #tpu.memory_space<vmem>>, vector<16xf32>,
      tpu.vector_store %arg9[%swap3A_295], %min3A_130 {strides = array<i32>} : memref<256xf32, #tpu.memory_space<vmem>>, vector<16xf32>,
      %add3A_297 = arith.constant 2 : i32
      %add3A_298 = arith.addi %mul3A_73, %add3A_297 : i32
      %mul3A_299 = arith.constant 16 : i32
      %mul3A_300 = arith.muli %add3A_298, %mul3A_299 : i32
      %swap3A_301 = arith.index_cast %mul3A_300 : i32 to index
      %swap3A_302 = tpu.vector_load %arg8[%swap3A_301] {strides = array<i32>} : memref<256xi32, #tpu.memory_space<vmem>>, vector<16xi32>,
      tpu.vector_store %arg8[%swap3A_301], %cond3A_256#2 {strides = array<i32>} : memref<256xi32, #tpu.memory_space<vmem>>, vector<16xi32>,
      %jit3A_303 = arith.constant 64 : i32
      %jit3A_304 = arith.constant 16319 : i32
      %max3A_305 = vector.broadcast %jit3A_303 : i32 to vector<16xi32>
      %max3A_306 = arith.maxsi %max3A_305, %cond3A_256#2 : vector<16xi32>
      %min3A_307 = vector.broadcast %jit3A_304 : i32 to vector<16xi32>
      %min3A_308 = arith.minsi %min3A_307, %max3A_306 : vector<16xi32>
      %sub3A_309 = arith.constant 64 : i32
      %sub3A_310 = vector.broadcast %sub3A_309 : i32 to vector<16xi32>
      %sub3A_311 = arith.subi %min3A_308, %sub3A_310 : vector<16xi32>
      %add3A_312 = arith.constant 128 : i32
      %add3A_313 = arith.addi %add3A_312, %mul3A_300 : i32
      %swap3A_314 = arith.index_cast %add3A_313 : i32 to index
      %swap3A_315 = tpu.vector_load %arg8[%swap3A_314] {strides = array<i32>} : memref<256xi32, #tpu.memory_space<vmem>>, vector<16xi32>,
      tpu.vector_store %arg8[%swap3A_314], %sub3A_311 {strides = array<i32>} : memref<256xi32, #tpu.memory_space<vmem>>, vector<16xi32>,
      %swap3A_316 = arith.index_cast %mul3A_300 : i32 to index
      %swap3A_317 = tpu.vector_load %arg9[%swap3A_316] {strides = array<i32>} : memref<256xf32, #tpu.memory_space<vmem>>, vector<16xf32>,
      tpu.vector_store %arg9[%swap3A_316], %min3A_146 {strides = array<i32>} : memref<256xf32, #tpu.memory_space<vmem>>, vector<16xf32>,
      %add3A_318 = arith.constant 3 : i32
      %add3A_319 = arith.addi %mul3A_73, %add3A_318 : i32
      %mul3A_320 = arith.constant 16 : i32
      %mul3A_321 = arith.muli %add3A_319, %mul3A_320 : i32
      %swap3A_322 = arith.index_cast %mul3A_321 : i32 to index
      %swap3A_323 = tpu.vector_load %arg8[%swap3A_322] {strides = array<i32>} : memref<256xi32, #tpu.memory_space<vmem>>, vector<16xi32>,
      tpu.vector_store %arg8[%swap3A_322], %cond3A_256#3 {strides = array<i32>} : memref<256xi32, #tpu.memory_space<vmem>>, vector<16xi32>,
      %jit3A_324 = arith.constant 64 : i32
      %jit3A_325 = arith.constant 16319 : i32
      %max3A_326 = vector.broadcast %jit3A_324 : i32 to vector<16xi32>
      %max3A_327 = arith.maxsi %max3A_326, %cond3A_256#3 : vector<16xi32>
      %min3A_328 = vector.broadcast %jit3A_325 : i32 to vector<16xi32>
      %min3A_329 = arith.minsi %min3A_328, %max3A_327 : vector<16xi32>
      %sub3A_330 = arith.constant 64 : i32
      %sub3A_331 = vector.broadcast %sub3A_330 : i32 to vector<16xi32>
      %sub3A_332 = arith.subi %min3A_329, %sub3A_331 : vector<16xi32>
      %add3A_333 = arith.constant 128 : i32
      %add3A_334 = arith.addi %add3A_333, %mul3A_321 : i32
      %swap3A_335 = arith.index_cast %add3A_334 : i32 to index
      %swap3A_336 = tpu.vector_load %arg8[%swap3A_335] {strides = array<i32>} : memref<256xi32, #tpu.memory_space<vmem>>, vector<16xi32>,
      tpu.vector_store %arg8[%swap3A_335], %sub3A_332 {strides = array<i32>} : memref<256xi32, #tpu.memory_space<vmem>>, vector<16xi32>,
      %swap3A_337 = arith.index_cast %mul3A_321 : i32 to index
      %swap3A_338 = tpu.vector_load %arg9[%swap3A_337] {strides = array<i32>} : memref<256xf32, #tpu.memory_space<vmem>>, vector<16xf32>,
      tpu.vector_store %arg9[%swap3A_337], %min3A_162 {strides = array<i32>} : memref<256xf32, #tpu.memory_space<vmem>>, vector<16xf32>,
      %scan3A_339 = arith.constant 0 : i32
      scf.yield %scan3A_339 : i32
    }
    %scan3A_42 = arith.constant 2 : i32
    %dma_start3A_43 = arith.constant 128 : i32
    %dma_start3A_44 = tpu.memref_slice %arg9[%dma_start3A_43] : memref<256xf32, #tpu.memory_space<vmem>> -> memref<128xf32, #tpu.memory_space<vmem>>
    %dma_start3A_45 = arith.constant 0 : i32
    %dma_start3A_46 = tpu.memref_slice %arg8[%dma_start3A_45] : memref<256xi32, #tpu.memory_space<vmem>> -> memref<128xi32, #tpu.memory_space<vmem>>
    %dma_start3A_47 = arith.constant 0 : i32
    %dma_start3A_48 = tpu.memref_slice %arg3[%dma_start3A_47] : memref<16384xf32, #tpu.memory_space<hbm>> -> memref<16384xf32, #tpu.memory_space<hbm>>
    tpu.enqueue_indirect_dma source(%dma_start3A_48 : memref<16384xf32, #tpu.memory_space<hbm>>) target(%dma_start3A_44 : memref<128xf32, #tpu.memory_space<vmem>>) offsets(%dma_start3A_46 : memref<128xi32, #tpu.memory_space<vmem>>) semaphore(%arg12 : memref<!tpu.dma_semaphore, #tpu.memory_space<semaphore_mem>>)
    %dma_wait3A_49 = arith.constant 128 : i32
    %dma_wait3A_50 = tpu.memref_slice %arg9[%dma_wait3A_49] : memref<256xf32, #tpu.memory_space<vmem>> -> memref<128xf32, #tpu.memory_space<vmem>>
    %dma_wait3A_51 = arith.constant 0 : i32
    %dma_wait3A_52 = tpu.memref_slice %arg8[%dma_wait3A_51] : memref<256xi32, #tpu.memory_space<vmem>> -> memref<128xi32, #tpu.memory_space<vmem>>
    %dma_wait3A_53 = arith.constant 0 : i32
    %dma_wait3A_54 = tpu.memref_slice %arg3[%dma_wait3A_53] : memref<16384xf32, #tpu.memory_space<hbm>> -> memref<16384xf32, #tpu.memory_space<hbm>>
    tpu.wait_indirect_dma semaphore(%arg12 : memref<!tpu.dma_semaphore, #tpu.memory_space<semaphore_mem>>) src(%dma_wait3A_54 : memref<16384xf32, #tpu.memory_space<hbm>>) dst(%dma_wait3A_50 : memref<128xf32, #tpu.memory_space<vmem>>)
    %dma_wait3A_55 = arith.constant 16384 : i32
    %dma_wait3A_56 = tpu.memref_slice %arg6[%dma_wait3A_55] : memref<32768xf32, #tpu.memory_space<vmem>> -> memref<16384xf32, #tpu.memory_space<vmem>>
    %dma_wait3A_57 = arith.constant 16384 : i32
    %dma_wait3A_58 = tpu.memref_slice %arg2[%dma_wait3A_57] : memref<32768xf32, #tpu.memory_space<hbm>> -> memref<16384xf32, #tpu.memory_space<hbm>>
    %dma_wait3A_59 = arith.constant 16384 : i32
    %dma_wait3A_60 = tpu.memref_slice %arg6[%dma_wait3A_59] : memref<32768xf32, #tpu.memory_space<vmem>> -> memref<16384xf32, #tpu.memory_space<vmem>>
    %dma_wait3A_61 = arith.constant 16384 : i32
    %dma_wait3A_62 = tpu.memref_slice %arg2[%dma_wait3A_61] : memref<32768xf32, #tpu.memory_space<hbm>> -> memref<16384xf32, #tpu.memory_space<hbm>>
    tpu.wait_dma2 semaphore(%arg11 : memref<!tpu.dma_semaphore, #tpu.memory_space<semaphore_mem>>) src(%dma_wait3A_62 : memref<16384xf32, #tpu.memory_space<hbm>>) dst(%dma_wait3A_60 : memref<16384xf32, #tpu.memory_space<vmem>>)
    %scan3A_63 = arith.constant 0 : i32
    %scan3A_64 = arith.constant 0 : i32
    %scan3A_65 = arith.constant 4 : i32
    %scan3A_66 = arith.addi %scan3A_64, %scan3A_65 : i32
    %scan3A_67 = arith.constant 1 : i32
    %scan3A_68 = scf.for %scan3A_70 = %scan3A_64 to %scan3A_66 step %scan3A_67 iter_args(%scan3A_71 = %scan3A_63) -> (i32)  : i32 {
      %mul3A_72 = arith.constant 2 : i32
      %mul3A_73 = arith.muli %scan3A_70, %mul3A_72 : i32
      %mul3A_74 = arith.constant 16 : i32
      %mul3A_75 = arith.muli %mul3A_73, %mul3A_74 : i32
      %mul3A_76 = arith.constant 16 : i32
      %mul3A_77 = arith.muli %mul3A_73, %mul3A_76 : i32
      %add3A_78 = arith.constant 16 : i32
      %add3A_79 = arith.addi %mul3A_77, %add3A_78 : i32
      %get3A = arith.index_cast %mul3A_75 : i32 to index
      %get3A_80 = tpu.vector_load %arg7[%get3A] {strides = array<i32>} : memref<256xf32, #tpu.memory_space<vmem>>, vector<16xf32>,
      %get3A_81 = arith.index_cast %add3A_79 : i32 to index
      %get3A_82 = tpu.vector_load %arg7[%get3A_81] {strides = array<i32>} : memref<256xf32, #tpu.memory_space<vmem>>, vector<16xf32>,
      %add3A_83 = arith.constant 128 : i32
      %add3A_84 = arith.addi %add3A_83, %mul3A_75 : i32
      %get3A_85 = arith.index_cast %add3A_84 : i32 to index
      %get3A_86 = tpu.vector_load %arg8[%get3A_85] {strides = array<i32>} : memref<256xi32, #tpu.memory_space<vmem>>, vector<16xi32>,
      %add3A_87 = arith.constant 128 : i32
      %add3A_88 = arith.addi %add3A_87, %add3A_79 : i32
      %get3A_89 = arith.index_cast %add3A_88 : i32 to index
      %get3A_90 = tpu.vector_load %arg8[%get3A_89] {strides = array<i32>} : memref<256xi32, #tpu.memory_space<vmem>>, vector<16xi32>,
      %get3A_91 = arith.index_cast %mul3A_75 : i32 to index
      %get3A_92 = tpu.vector_load %arg9[%get3A_91] {strides = array<i32>} : memref<256xf32, #tpu.memory_space<vmem>>, vector<16xf32>,
      %get3A_93 = arith.index_cast %add3A_79 : i32 to index
      %get3A_94 = tpu.vector_load %arg9[%get3A_93] {strides = array<i32>} : memref<256xf32, #tpu.memory_space<vmem>>, vector<16xf32>,
      %add3A_95 = arith.constant 128 : i32
      %add3A_96 = arith.addi %add3A_95, %mul3A_75 : i32
      %get3A_97 = arith.index_cast %add3A_96 : i32 to index
      %get3A_98 = tpu.vector_load %arg9[%get3A_97] {strides = array<i32>} : memref<256xf32, #tpu.memory_space<vmem>>, vector<16xf32>,
      %add3A_99 = arith.constant 128 : i32
      %add3A_100 = arith.addi %add3A_99, %add3A_79 : i32
      %get3A_101 = arith.index_cast %add3A_100 : i32 to index
      %get3A_102 = tpu.vector_load %arg9[%get3A_101] {strides = array<i32>} : memref<256xf32, #tpu.memory_space<vmem>>, vector<16xf32>,
      %broadcast_in_dim3A = arith.constant 0.000000e+00 : f32
      %broadcast_in_dim3A_103 = vector.broadcast %broadcast_in_dim3A : f32 to vector<16xf32>
      %parallel_loop3A = arith.constant 0 : i32
      %parallel_loop3A_104 = arith.constant 129 : i32
      %parallel_loop3A_105 = arith.constant 1 : i32
      %parallel_loop3A_106:4 = scf.for %parallel_loop3A_116 = %parallel_loop3A to %parallel_loop3A_104 step %parallel_loop3A_105 iter_args(%parallel_loop3A_117 = %broadcast_in_dim3A_103, %parallel_loop3A_118 = %broadcast_in_dim3A_103, %parallel_loop3A_119 = %broadcast_in_dim3A_103, %parallel_loop3A_120 = %broadcast_in_dim3A_103) -> (vector<16xf32>, vector<16xf32>, vector<16xf32>, vector<16xf32>)  : i32 {
        %parallel_loop3A_121 = vector.broadcast %parallel_loop3A_116 : i32 to vector<16xi32>
        %parallel_loop3A_122 = arith.addi %get3A_86, %parallel_loop3A_121 : vector<16xi32>
        %parallel_loop3A_123 = vector.broadcast %parallel_loop3A_116 : i32 to vector<16xi32>
        %parallel_loop3A_124 = arith.addi %get3A_90, %parallel_loop3A_123 : vector<16xi32>
        %parallel_loop3A_125 = tpu.vector_load_idx %arg6[%parallel_loop3A_122] : memref<32768xf32, #tpu.memory_space<vmem>>[vector<16xi32>], vector<16xf32>,
        %parallel_loop3A_126 = arith.constant 16384 : i32
        %parallel_loop3A_127 = vector.broadcast %parallel_loop3A_126 : i32 to vector<16xi32>
        %parallel_loop3A_128 = arith.addi %parallel_loop3A_122, %parallel_loop3A_127 : vector<16xi32>
        %parallel_loop3A_129 = tpu.vector_load_idx %arg6[%parallel_loop3A_128] : memref<32768xf32, #tpu.memory_space<vmem>>[vector<16xi32>], vector<16xf32>,
        %parallel_loop3A_130 = tpu.vector_load_idx %arg6[%parallel_loop3A_124] : memref<32768xf32, #tpu.memory_space<vmem>>[vector<16xi32>], vector<16xf32>,
        %parallel_loop3A_131 = arith.constant 16384 : i32
        %parallel_loop3A_132 = vector.broadcast %parallel_loop3A_131 : i32 to vector<16xi32>
        %parallel_loop3A_133 = arith.addi %parallel_loop3A_124, %parallel_loop3A_132 : vector<16xi32>
        %parallel_loop3A_134 = tpu.vector_load_idx %arg6[%parallel_loop3A_133] : memref<32768xf32, #tpu.memory_space<vmem>>[vector<16xi32>], vector<16xf32>,
        %parallel_loop3A_135 = arith.subf %get3A_80, %parallel_loop3A_125 : vector<16xf32>
        %parallel_loop3A_136 = arith.subf %get3A_82, %parallel_loop3A_130 : vector<16xf32>
        %parallel_loop3A_137 = arith.mulf %parallel_loop3A_135, %parallel_loop3A_135 : vector<16xf32>
        %parallel_loop3A_138 = arith.subf %get3A_92, %parallel_loop3A_137 : vector<16xf32>
        %parallel_loop3A_139 = arith.mulf %get3A_98, %parallel_loop3A_138 : vector<16xf32>
        %parallel_loop3A_140 = math.exp %parallel_loop3A_139 : vector<16xf32>
        %parallel_loop3A_141 = arith.mulf %parallel_loop3A_136, %parallel_loop3A_136 : vector<16xf32>
        %parallel_loop3A_142 = arith.subf %get3A_94, %parallel_loop3A_141 : vector<16xf32>
        %parallel_loop3A_143 = arith.mulf %get3A_102, %parallel_loop3A_142 : vector<16xf32>
        %parallel_loop3A_144 = math.exp %parallel_loop3A_143 : vector<16xf32>
        %parallel_loop3A_145 = arith.mulf %parallel_loop3A_129, %parallel_loop3A_140 : vector<16xf32>
        %parallel_loop3A_146 = arith.addf %parallel_loop3A_117, %parallel_loop3A_145 : vector<16xf32>
        %parallel_loop3A_147 = arith.addf %parallel_loop3A_118, %parallel_loop3A_140 : vector<16xf32>
        %parallel_loop3A_148 = arith.mulf %parallel_loop3A_134, %parallel_loop3A_144 : vector<16xf32>
        %parallel_loop3A_149 = arith.addf %parallel_loop3A_119, %parallel_loop3A_148 : vector<16xf32>
        %parallel_loop3A_150 = arith.addf %parallel_loop3A_120, %parallel_loop3A_144 : vector<16xf32>
        scf.yield %parallel_loop3A_146, %parallel_loop3A_147, %parallel_loop3A_149, %parallel_loop3A_150 : vector<16xf32>, vector<16xf32>, vector<16xf32>, vector<16xf32>
      } {sc.loop_unroll_factor = 8 : i64, sc.parallel_access}
      %div3A = arith.divf %parallel_loop3A_106#0, %parallel_loop3A_106#1 : vector<16xf32>
      %add3A_107 = arith.constant 128 : i32
      %add3A_108 = arith.addi %add3A_107, %mul3A_75 : i32
      %swap3A = arith.index_cast %add3A_108 : i32 to index
      %swap3A_109 = tpu.vector_load %arg7[%swap3A] {strides = array<i32>} : memref<256xf32, #tpu.memory_space<vmem>>, vector<16xf32>,
      tpu.vector_store %arg7[%swap3A], %div3A {strides = array<i32>} : memref<256xf32, #tpu.memory_space<vmem>>, vector<16xf32>,
      %div3A_110 = arith.divf %parallel_loop3A_106#2, %parallel_loop3A_106#3 : vector<16xf32>
      %add3A_111 = arith.constant 128 : i32
      %add3A_112 = arith.addi %add3A_111, %add3A_79 : i32
      %swap3A_113 = arith.index_cast %add3A_112 : i32 to index
      %swap3A_114 = tpu.vector_load %arg7[%swap3A_113] {strides = array<i32>} : memref<256xf32, #tpu.memory_space<vmem>>, vector<16xf32>,
      tpu.vector_store %arg7[%swap3A_113], %div3A_110 {strides = array<i32>} : memref<256xf32, #tpu.memory_space<vmem>>, vector<16xf32>,
      %scan3A_115 = arith.constant 0 : i32
      scf.yield %scan3A_115 : i32
    }
    %scan3A_69 = arith.constant 4 : i32
    "tpu.region"() ({
      %run_scoped3A = tpu.sem_alloc : memref<!tpu.dma_semaphore, #tpu.memory_space<semaphore_mem>>
      %dma_start3A_70 = arith.constant 128 : i32
      %dma_start3A_71 = tpu.memref_slice %arg7[%dma_start3A_70] : memref<256xf32, #tpu.memory_space<vmem>> -> memref<128xf32, #tpu.memory_space<vmem>>
      %dma_start3A_72 = tpu.memref_slice %arg5[%mul3A_2] : memref<4096xf32, #tpu.memory_space<hbm>> -> memref<128xf32, #tpu.memory_space<hbm>>
      %dma_start3A_73 = tpu.memref_slice %arg5[%mul3A_2] : memref<4096xf32, #tpu.memory_space<hbm>> -> memref<128xf32, #tpu.memory_space<hbm>>
      %dma_start3A_74 = arith.constant 128 : i32
      %dma_start3A_75 = tpu.memref_slice %arg7[%dma_start3A_74] : memref<256xf32, #tpu.memory_space<vmem>> -> memref<128xf32, #tpu.memory_space<vmem>>
      tpu.enqueue_dma source(%dma_start3A_75 : memref<128xf32, #tpu.memory_space<vmem>>) target(%dma_start3A_73 : memref<128xf32, #tpu.memory_space<hbm>>) target_semaphore(%run_scoped3A : memref<!tpu.dma_semaphore, #tpu.memory_space<semaphore_mem>>)
      %dma_wait3A_76 = arith.constant 128 : i32
      %dma_wait3A_77 = tpu.memref_slice %arg7[%dma_wait3A_76] : memref<256xf32, #tpu.memory_space<vmem>> -> memref<128xf32, #tpu.memory_space<vmem>>
      %dma_wait3A_78 = tpu.memref_slice %arg5[%mul3A_2] : memref<4096xf32, #tpu.memory_space<hbm>> -> memref<128xf32, #tpu.memory_space<hbm>>
      %dma_wait3A_79 = tpu.memref_slice %arg5[%mul3A_2] : memref<4096xf32, #tpu.memory_space<hbm>> -> memref<128xf32, #tpu.memory_space<hbm>>
      %dma_wait3A_80 = arith.constant 128 : i32
      %dma_wait3A_81 = tpu.memref_slice %arg7[%dma_wait3A_80] : memref<256xf32, #tpu.memory_space<vmem>> -> memref<128xf32, #tpu.memory_space<vmem>>
      tpu.wait_dma2 semaphore(%run_scoped3A : memref<!tpu.dma_semaphore, #tpu.memory_space<semaphore_mem>>) src(%dma_wait3A_81 : memref<128xf32, #tpu.memory_space<vmem>>) dst(%dma_wait3A_79 : memref<128xf32, #tpu.memory_space<hbm>>)
      tpu.yield
    }) : () -> ()
    return
  }
}

</mosaic_0001>

<sc_bundles>
// kernel: kernel.3.cloned.1.call-start
scs
__scs_entry_jumppad:
0x0: {  	(pc) =	sbr.rel $0x88, $3  }
0x1: {  	(tag) =	ssettag $0x0;
	lr =	simm.s32 $0x1  }
0x2: {  	[smem:$0x3F9D] =	sst lr;
	_ =	strace $0xD0000000  }
0x3: {  	_ = 	snop  }
0x4: {  	_ = 	snop  }
0x5: {  	_ = 	snop  }
0x6: {  	_ = 	snop  }
0x7: {  	_ = 	snop  }
__scs_overlays_trampoline_lowered:
0x8: {  	[smem:$0x3FAC] =	sst s0  }
0x9: {  	[smem:$0x3FAD] =	sst s1  }
0xa: {  	[smem:$0x3FAE] =	sst s2  }
0xb: {  	[smem:$0x3FAF] =	sst s3  }
0xc: {  	[smem:$0x3FB0] =	sst s4  }
0xd: {  	[smem:$0x3FB1] =	sst s5  }
0xe: {  	[smem:$0x3FB2] =	sst s6  }
0xf: {  	[smem:$0x3FB3] =	sst s7  }
0x10: {  	[smem:$0x3FB4] =	sst s8  }
0x11: {  	[smem:$0x3FB5] =	sst s9;
	s0 =	simm.s32 @!p0 $0x0  }
0x12: {  	s1 =	sld [smem:$0x3F9B];
	s0 =	simm.s32 @p0 $0x1  }
0x13: {  	[smem:$0x3FB6] =	sst s0;
	s0 =	simm.s32 @!p1 $0x0  }
0x14: {  	s2 =	sld [smem:$0x3F9A];
	s0 =	simm.s32 @p1 $0x1  }
0x15: {  	[smem:$0x3FB7] =	sst s0;
	s0 =	simm.s32 @!p2 $0x0  }
0x16: {  	s3 =	sld [smem:$0x3FDB];
	s0 =	simm.s32 @p2 $0x1  }
0x17: {  	s4 =	simm.s32 $0x1BF5;
	[smem:$0x3FB9] =	sst s0  }
0x18: {  	s0 =	sld [smem:$0x3F9C];
	_ =	swait.ge [sflag:s4], $0x0  }
0x19: {  	s7 =	sld [smem:$0x3F9D]  }
0x1a: {  	s8 =	sadd.s32 $0xFFFFE003, lr  }
0x1b: {  	s9 =	sadd.s32 $0xFFFFFEF7, lr;
	s5 =	simm.s32 $0xFFFFFFFF;
	p2 =	slt.u32 s8, $0xFFFFF086  }
0x1c: {  	p1 =	slt.u32 s9, $0xF7A;
	s5 =	simm.s32 @!p2 $0x0  }
0x1d: {  	s5 =	simm.s32 @p1 $0x1;
	p0 =	seq.s32 s7, s2  }
0x1e: {  	s7 =	smul.u32 @!p0 $0xF7A, s2;
	p2 =	seq.s32 @!p0 s5, $0x0  }
0x1f: {  	s9 =	smul.u32 $0xF7A, s1;
	s8 =	simm.s32 @!p0 $0x1BF5;
	p2 =	por !p2, p0  }
0x20: {  	[sflag:s8] =	ssyncset.s32 @!p0 $0xFFFFF086;
	s6 =	sadd.s32 @!p0 s3, s7;
	s7 =	simm.s32 @!p0 $0x108  }
0x21: {  	s3 =	sadd.s32 s3, s9;
	s6 =	sadd.s32 @!p0 $0x88, s6;
	s7 =	simm.s32 @p2 $0x1082  }
0x22: {  	[simem:s7], [sflag:s8] =	dma.local @!p0 [hbm:s6], $0xF7A  }
0x23: {  	s9 =	sor.u32 $0xD0000000, s2;
	s6 =	simm.s32 $0x108;
	_ =	swait.ge @!p0 [sflag:s8], $0x0  }
0x24: {  	s3 =	sadd.s32 $0x88, s3;
	s6 =	simm.s32 @!p1 $0x1082;
	[sflag:s4] =	ssyncset.s32 $0xFFFFF086  }
0x25: {  	[simem:s6], [sflag:s4] =	dma.local [hbm:s3], $0xF7A  }
0x26: {  	[smem:$0x3F9D] =	sst s1;
	(tag) =	ssettag s2;
	_ =	strace s9  }
0x27: {  	s1 =	sld [smem:$0x3FAD]  }
0x28: {  	s2 =	sld [smem:$0x3FAE]  }
0x29: {  	s4 =	sld [smem:$0x3FB0]  }
0x2a: {  	p0 =	seq.s32 s5, $0x0;
	s5 =	sld [smem:$0x3FB1]  }
0x2b: {  	s6 =	sld [smem:$0x3FB2]  }
0x2c: {  	s7 =	sld [smem:$0x3FB3]  }
0x2d: {  	s3 =	simm.s32 $0x108;
	s8 =	sld [smem:$0x3FB4]  }
0x2e: {  	s3 =	simm.s32 @!p0 $0x1082;
	s9 =	sld [smem:$0x3FB5]  }
0x2f: {  	lr =	sadd.s32 s0, s3;
	s0 =	sld [smem:$0x3FAC]  }
0x30: {  	s3 =	sld [smem:$0x3FAF]  }
0x31: {  	[smem:$0x3FB8] =	sst s10  }
0x32: {  	s10 =	sld [smem:$0x3FB6];
	_ =	sdelay $0x3  }
0x33: {  	p0 =	seq.s32 s10, $0x1;
	s10 =	sld [smem:$0x3FB8];
	_ =	sdelay $0x3  }
0x34: {  	[smem:$0x3FB8] =	sst s10  }
0x35: {  	s10 =	sld [smem:$0x3FB7];
	_ =	sdelay $0x3  }
0x36: {  	p1 =	seq.s32 s10, $0x1;
	s10 =	sld [smem:$0x3FB8];
	_ =	sdelay $0x3  }
0x37: {  	[smem:$0x3FB8] =	sst s10  }
0x38: {  	s10 =	sld [smem:$0x3FB9]  }
0x39: {  	_ = 	snop;
	(pc) =	sbr.ind lr, $3  }
0x3a: {  	_ = 	snop  }
0x3b: {  	_ = 	snop  }
0x3c: {  	p2 =	seq.s32 s10, $0x1;
	s10 =	sld [smem:$0x3FB8]  }
0x3d: {  	_ =	shalt  }
0x3e: {  	_ =	shalt  }
0x3f: {  	_ =	shalt  }
0x40: {  	_ =	shalt  }
0x41: {  	_ =	shalt  }
0x42: {  	_ =	shalt  }
0x43: {  	_ =	shalt  }
0x44: {  	_ =	shalt  }
0x45: {  	_ =	shalt  }
0x46: {  	_ =	shalt  }
0x47: {  	_ =	shalt  }
0x48: {  	_ =	shalt  }
0x49: {  	_ =	shalt  }
0x4a: {  	_ =	shalt  }
0x4b: {  	_ =	shalt  }
0x4c: {  	_ =	shalt  }
0x4d: {  	_ =	shalt  }
0x4e: {  	_ =	shalt  }
0x4f: {  	_ =	shalt  }
0x50: {  	_ =	shalt  }
0x51: {  	_ =	shalt  }
0x52: {  	_ =	shalt  }
0x53: {  	_ =	shalt  }
0x54: {  	_ =	shalt  }
0x55: {  	_ =	shalt  }
0x56: {  	_ =	shalt  }
0x57: {  	_ =	shalt  }
0x58: {  	_ =	shalt  }
0x59: {  	_ =	shalt  }
0x5a: {  	_ =	shalt  }
0x5b: {  	_ =	shalt  }
0x5c: {  	_ =	shalt  }
0x5d: {  	_ =	shalt  }
0x5e: {  	_ =	shalt  }
0x5f: {  	_ =	shalt  }
0x60: {  	_ =	shalt  }
0x61: {  	_ =	shalt  }
0x62: {  	_ =	shalt  }
0x63: {  	_ =	shalt  }
0x64: {  	_ =	shalt  }
0x65: {  	_ =	shalt  }
0x66: {  	_ =	shalt  }
0x67: {  	_ =	shalt  }
0x68: {  	_ =	shalt  }
0x69: {  	_ =	shalt  }
0x6a: {  	_ =	shalt  }
0x6b: {  	_ =	shalt  }
0x6c: {  	_ =	shalt  }
0x6d: {  	_ =	shalt  }
0x6e: {  	_ =	shalt  }
0x6f: {  	_ =	shalt  }
0x70: {  	_ =	shalt  }
0x71: {  	_ =	shalt  }
0x72: {  	_ =	shalt  }
0x73: {  	_ =	shalt  }
0x74: {  	_ =	shalt  }
0x75: {  	_ =	shalt  }
0x76: {  	_ =	shalt  }
0x77: {  	_ =	shalt  }
0x78: {  	_ =	shalt  }
0x79: {  	_ =	shalt  }
0x7a: {  	_ =	shalt  }
0x7b: {  	_ =	shalt  }
0x7c: {  	_ =	shalt  }
0x7d: {  	_ =	shalt  }
0x7e: {  	_ =	shalt  }
0x7f: {  	_ =	shalt  }
0x80: {  	_ =	shalt  }
0x81: {  	_ =	shalt  }
0x82: {  	_ =	shalt  }
0x83: {  	_ =	shalt  }
0x84: {  	_ =	shalt  }
0x85: {  	_ =	shalt  }
0x86: {  	_ =	shalt  }
0x87: {  	_ =	shalt  }
.Lfunc_end0:
.L_simem_size_0:
called_computation_lowered:
.L_overlay_start_0:
0x88: {  	s2 =	sld [smem:$0x3FD9]  }
0x89: {  	s3 =	sld [smem:$0x3FFE];
	_ =	sdelay $0x1  }
0x8a: {  	s1 =	srdreg.scid  }
0x8b: {  	s0 =	sand.u32 $0x1, s1  }
0x8c: {  	s17 =	sshll.u32 s0, $0xA;
	s2 =	sadd.s32 s3, s2  }
0x8d: {  	s2 =	sadd.s32 s2, s17  }
0x8e: {  	[smem:$0x3FC4] =	sst s2  }
0x8f: {  	_ = 	snop  }
0x90: {  	s2 =	sld [smem:$0x3FC9]  }
0x91: {  	s18 =	sld [smem:$0x3FC7]  }
0x92: {  	s4 =	sld [smem:$0x3FD0];
	(tm) =	ssettm $0x1  }
0x93: {  	s5 =	sld [smem:$0x3FFB];
	_ =	sdelay $0x3  }
0x94: {  	_ =	strace s5  }
0x95: {  	s5 =	sld [smem:$0x3FFC];
	_ =	sdelay $0x3  }
0x96: {  	_ =	strace s5  }
0x97: {  	s5 =	sld [smem:$0x3FFD];
	_ =	sdelay $0x3  }
0x98: {  	_ =	strace s5  }
0x99: {  	_ =	strace $0x8FFFFFFF  }
0x9a: {  	s19 =	sld [smem:$0x3FDB];
	_ =	sdelay $0x1  }
0x9b: {  	s6 =	simm.s32 $_scs_section_size  }
0x9c: {  	s7 =	simm.s32 $_size__tile_overlayer_lowered;
	s8 =	simm.s32 $_tile_overlayer_lowered  }
0x9d: {  	s22 =	simm.s32 $0x1BFF;
	s21 =	sshll.u32 s8, $0x1;
	s5 =	sadd.s32 s6, s19  }
0x9e: {  	s9 =	simm.s32 $0x0;
	s20 =	sshll.u32 s7, $0x1;
	s7 =	sadd.s32 s21, s5  }
0x9f: {  	[timem:s9], [sflag:s22] =	dma.local [hbm:s7], s20  }
0xa0: {  	_ =	swait.ge [sflag:s22], s20  }
0xa1: {  	s6 =	ssub.s32 $0x0, s20;
	[sflag:s22] =	ssyncset.done $0x0  }
0xa2: {  	[sflag:s22] =	ssyncadd.s32 s6;
	_ =	sdelay $0x1  }
0xa3: {  	s23 =	simm.s32 $0x1B8B  }
0xa4: {  	_ =	swait.ge [sflag:s23], $0x1  }
0xa5: {  	[sflag:s23] =	ssyncset.done $0x0  }
0xa6: {  	s25 =	simm.s32 $0x1B8E;
	s24 =	sld [smem:$0x3FFE];
	[sflag:s23] =	ssyncadd.s32 $0xFFFFFFFF  }
0xa7: {  	s26 =	simm.s32 $execute0_lowered;
	[smem:$0x3FD2] =	sst s25  }
0xa8: {  	s7 =	sshll.u32 s26, $0x1;
	_ =	strace $0x80000046;
	[dreg:$0x1] =	wrdreg $0xFFFFFFFF  }
0xa9: {  	s28 =	simm.s32 $_size_execute0_lowered;
	s5 =	sadd.s32 s5, s7;
	[dreg:$0x0] =	wrdreg $0x0  }
0xaa: {  	s7 =	sshll.u32 s28, $0x1;
	[dreg:$0x2] =	wrdreg s5  }
0xab: {  	[dreg:$0x3] =	wrdreg s7  }
0xac: {  	[dreg:$0x4] =	wrdreg $0xC0  }
0xad: {  	_ =	task [dreg:s9], $0x5FFFF  }
0xae: {  	[dreg:$0x1] =	wrdreg $0xFFFFFFFF  }
0xaf: {  	[dreg:$0x0] =	wrdreg $0x60  }
0xb0: {  	[dreg:$0x2] =	wrdreg s24  }
0xb1: {  	[dreg:$0x3] =	wrdreg s18  }
0xb2: {  	[dreg:$0x4] =	wrdreg s2  }
0xb3: {  	[dreg:$0x5] =	wrdreg s4  }
0xb4: {  	[dreg:$0x6] =	wrdreg $0x9  }
0xb5: {  	_ =	task.clear_ibuf [dreg:s9], $0x7FFFF;
	_ =	strace $0x90000046  }
0xb6: {  	s29 =	simm.s32 $0x9;
	_ =	strace $0x80000048  }
0xb7: {  	_ =	swait.ge [sflag:s29], $0x1  }
0xb8: {  	[sflag:s29] =	ssyncadd.s32 $0xFFFFFFFF  }
0xb9: {  	_ =	strace $0x90000048  }
0xba: {  	_ =	sfence  }
0xbb: {  	s30 =	sld [smem:$0x0];
	_ =	sdelay $0x2  }
0xbc: {  	s31 =	sshll.u32 s1, $0xD;
	s1 =	sshrl.u32 s1, $0x2  }
0xbd: {  	s3 =	sand.u32 $0x4000, s31;
	s1 =	sadd.s32 s1, s30  }
0xbe: {  	s0 =	sor.u32 s3, s0;
	s1 =	sshll.u32 s1, $0x11  }
0xbf: {  	s0 =	sor.u32 s1, s0  }
0xc0: {  	s0 =	sadd.s32 $0x8F2B, s0  }
0xc1: {  	[sflag:s0] =	ssyncadd.remote.s32 $0x1  }
0xc2: {  	_ =	sfence.sel $0xFFFF  }
0xc3: {  	[dreg:$0x0] =	wrdreg $0xFFFFFFFF;
	(pc) =	sbr.abs _section_cstart, $3  }
0xc4: {  	[dreg:$0x1] =	wrdreg $0xFFFFFFFF  }
0xc5: {  	_ =	task.clear_ibuf [dreg:s9], $0x2FFFF;
	_ =	strace $0x9FFFFFFF  }
0xc6: {  	(tm) =	ssettm $0x7FFFFFFF  }
0xc7: {  	_ =	shalt  }
tec
execute0_lowered:
.L_overlay_start_1:
0x0: {  	(tag) =	ssettag $0x1  }
0x1: {  	s5 =	rddreg [dreg:$0x0]  }
0x2: {  	s1 =	rddreg [dreg:$0x1]  }
0x3: {  	s6 =	rddreg [dreg:$0x2]  }
0x4: {  	s7 =	rddreg [dreg:$0x3]  }
0x5: {  	s0 =	rddreg [dreg:$0x4];
	s2 =	simm.s32 $0x0  }
0x6: {  	s3 =	srdreg.scid;
	s12 =	simm.s32 $0x1;
	s13 =	simm.s32 $0x80  }
0x7: {  	s14 =	simm.s32 $0x8100;
	s15 =	simm.s32 $0x8280;
	s16 =	simm.s32 $0x2  }
0x8: {  	s17 =	simm.s32 $0x8080;
	s18 =	simm.s32 $0x4;
	s19 =	simm.s32 $0x0  }
0x9: {  	[smem:$0x7FF] =	sst s2;
	s4 =	sand.u32 $0x1, s3;
	s3 =	stileid.u32  }
0xa: {  	_ =	strace $0x80000047;
	s8 =	ssub.s32 $0x2, s4;
	s10 =	sshll.u32 s3, $0x5  }
0xb: {  	s11 =	sshll.u32 s4, $0x4;
	s4 =	sadd.s32 $0x400, s5;
	s5 =	sadd.s32 $0xC00, s5  }
0xc: {  	s9 =	sshrl.u32 s8, $0x1;
	s31 =	sor.u32 s11, s10;
	s10 =	simm.s32 $0x8000  }
0xd: {  	s11 =	simm.s32 $0x3;
	s8 =	ssub.s32 s8, s9;
	s6 =	sadd.s32 s6, s31  }
0xe: {  	v0 =	vimm.s32 $0x0;
	v1 =	vimm.f32 $0.0e+00;
	v2 =	vimm.s32 $0x2000;
	s7 =	sadd.s32 s7, s31;
	s9 =	simm.s32 $0x4000;
	s8 =	smax.u32 s8, $0x1  }
.LBB2_1:
0xf: {  	[tilespmem:s2], [sflag:$0x1] =	stream.linear.gather [hbm4b:s4+s2], $0x4000, $0x38;
	[tilespmem:$0x8300] =	vst v63  }
0x10: {  	_ = 	snop  }
0x11: {  	[tilespmem:s9], [sflag:$0x2] =	stream.linear.gather [hbm4b:s5+s2], $0x4000, $0x38;
	[tilespmem:$0x8300] =	vst v63  }
0x12: {  	_ = 	snop  }
0x13: {  	[tilespmem:s10], [sflag:$0x3] =	stream.linear.gather [hbm4b:s6+s2], $0x80, $0x38;
	[tilespmem:$0x8300] =	vst v63  }
0x14: {  	_ =	swait.ge [sflag:s11], $0x80  }
.Ltmp0:
0x15: {  	[sflag:s11] =	ssyncset.done $0x0;
	(pc) =	sbr.rel .LBB2_2-.Ltmp0, $4  }
0x16: {  	[sflag:s11] =	ssyncadd.s32 $0xFFFFFF80  }
0x17: {  	_ =	swait.ge [sflag:s12], $0x4000  }
0x18: {  	[sflag:s12] =	ssyncset.done $0x0  }
0x19: {  	p1 =	por $0x1, $0x1;
	s20 =	simm.s32 $0x0;
	[sflag:s12] =	ssyncadd.s32 $0xFFFFC000  }
.LBB2_6:
0x1a: {  	v22 =	vmovc v23;
	v28 =	vmovc v24;
	v25 =	vmov v20;
	v27 =	vmov v21;
	v26 =	vmov v19  }
.LBB2_10:
0x1b: {  	v28 =	vadd.s32 @p1 v28, v32  }
0x1c: {  	v59 =	vadd.s32 $0xFFFFFFFF, v22;
	vm4 =	vlt.f32 @p1 v31, v18;
	vm5 =	vlt.f32 @p1 v29, v15  }
0x1d: {  	v24 =	vpsel p1, v28, v24;
	v29 =	vnsel @p1 vm4, $0x0, v23;
	v31 =	vnsel @p1 vm5, $0x0, v23  }
0x1e: {  	vm4 =	vlt.f32 @p1 v30, v16;
	v28 =	vadd.s32 v24, v59;
	v25 =	vadd.s32 @p1 v25, v29  }
0x1f: {  	v23 =	vnsel @p1 vm4, $0x0, v23;
	v20 =	vpsel p1, v25, v20;
	v25 =	vadd.s32 @p1 v27, v31  }
0x20: {  	v23 =	vadd.s32 @p1 v26, v23;
	v60 =	vadd.s32 v20, v59;
	v21 =	vpsel p1, v25, v21  }
0x21: {  	v19 =	vpsel p1, v23, v19;
	v25 =	vadd.s32 v21, v59  }
0x22: {  	v23 =	vadd.s32 v19, v59;
	_ =	sdelay $0x1  }
0x23: {  	v61 =	vld.idx.msk [tilespmem:v28+s2+$0x0], $0xffff  }
0x24: {  	v27 =	vld.idx.msk [tilespmem:v60+s2+$0x0], $0xffff  }
0x25: {  	v25 =	vld.idx.msk [tilespmem:v25+s2+$0x0], $0xffff  }
0x26: {  	v23 =	vld.idx.msk [tilespmem:v23+s2+$0x0], $0xffff;
	_ =	sdelay $0x1  }
0x27: {  	vm12 =	vlt.f32 v61, v17  }
0x28: {  	v17 =	vnsel vm12, $0x0, v22  }
0x29: {  	v17 =	vadd.s32 v24, v17;
	vm14 =	vlt.f32 v27, v18  }
0x2a: {  	vm13 =	vlt.f32 v25, v15;
	vm15 =	vlt.f32 v23, v16;
	v62 =	vnsel vm14, $0x0, v22  }
0x2b: {  	v12 =	vsel vm2, v17, v12;
	v15 =	vnsel vm13, $0x0, v22;
	v63 =	vnsel vm15, $0x0, v22  }
0x2c: {  	v16 =	vadd.s32 v20, v62;
	v15 =	vadd.s32 v21, v15;
	v18 =	vadd.s32 v19, v63  }
0x2d: {  	v13 =	vsel vm3, v16, v13;
	v14 =	vsel vm0, v15, v14;
	v11 =	vsel vm1, v18, v11  }
.LBB2_11:
0x2e: {  	vm0 =	vgt.s32 v14, $0x40  }
0x2f: {  	[tilespmem:s20+$0x8100] =	vst v14;
	vm13 =	vgt.s32 v11, $0x40;
	v7 =	vmin.f32 v7, v8;
	v15 =	vnsel vm0, $0x40, v14  }
0x30: {  	v60 =	vnsel vm13, $0x40, v11;
	[tilespmem:s20+$0x8200] =	vst v7;
	v15 =	vmin.u32 v15, $0x3FBF  }
0x31: {  	v61 =	vmin.u32 v60, $0x3FBF;
	[tilespmem:s23+$0x8100] =	vst v11;
	v59 =	vadd.s32 $0xFFFFFFC0, v15  }
0x32: {  	vm14 =	vgt.s32 v12, $0x40;
	v7 =	vadd.s32 $0xFFFFFFC0, v61;
	[tilespmem:s20+$0x8180] =	vst v59  }
0x33: {  	v3 =	vmin.f32 v3, v6;
	v62 =	vnsel vm14, $0x40, v12;
	[tilespmem:s20+$0x8190] =	vst v7  }
0x34: {  	[tilespmem:s23+$0x8200] =	vst v3;
	v3 =	vmin.u32 v62, $0x3FBF  }
0x35: {  	vm15 =	vgt.s32 v13, $0x40;
	[tilespmem:s22+$0x8100] =	vst v12;
	v3 =	vadd.s32 $0xFFFFFFC0, v3  }
.Ltmp1:
0x36: {  	v4 =	vmin.f32 v4, v5;
	[tilespmem:s20+$0x81A0] =	vst v3;
	v3 =	vnsel vm15, $0x40, v13;
	(pc) =	sbr.rel @!p0 .LBB2_12-.Ltmp1, $4  }
0x37: {  	[tilespmem:s22+$0x8200] =	vst v4;
	v3 =	vmin.u32 v3, $0x3FBF  }
0x38: {  	[tilespmem:s21+$0x8100] =	vst v13;
	v3 =	vadd.s32 $0xFFFFFFC0, v3  }
0x39: {  	v63 =	vmin.f32 v9, v10;
	[tilespmem:s20+$0x81B0] =	vst v3  }
0x3a: {  	p1 =	por $0x0, $0x0;
	s20 =	simm.s32 $0x40;
	[tilespmem:s21+$0x8200] =	vst v63  }
.LBB2_2:
0x3b: {  	v7 =	vimm.s32 $0x2000  }
0x3c: {  	v8 =	vimm.s32 $0x0;
	v3 =	vadd.s32 $0xFFFFFFFF, v7  }
0x3d: {  	v10 =	vadd.s32 v8, v3;
	_ =	sdelay $0x1  }
0x3e: {  	v4 =	vld [tilespmem:s20+$0x8020]  }
0x3f: {  	v5 =	vld [tilespmem:s20+$0x8000]  }
0x40: {  	v9 =	vld [tilespmem:s20+$0x8030]  }
0x41: {  	v6 =	vld.idx.msk [tilespmem:v10+s2+$0x0], $0xffff  }
0x42: {  	v3 =	vld [tilespmem:s20+$0x8010]  }
0x43: {  	v13 =	vld.idx.msk [tilespmem:v10+s2+$0x0], $0xffff  }
0x44: {  	v14 =	vld.idx.msk [tilespmem:v10+s2+$0x0], $0xffff  }
0x45: {  	v15 =	vld.idx.msk [tilespmem:v10+s2+$0x0], $0xffff  }
0x46: {  	s23 =	sor.u32 $0x10, s20;
	p0 =	por p1, p1;
	v12 =	vimm.s32 $0x0;
	v11 =	vimm.s32 $0x0;
	vm0 =	vlt.f32 v6, v4  }
0x47: {  	s22 =	sor.u32 $0x20, s20;
	s21 =	sor.u32 $0x30, s20;
	s24 =	simm.s32 $0xC;
	v10 =	vimm.s32 $0x0;
	v6 =	vshrl.u32 v7, $0x1;
	v16 =	vnsel vm0, $0x0, v7  }
.LBB2_3:
0x48: {  	p1 =	sne.s32 s24, $0x1;
	s24 =	sadd.s32 $0xFFFFFFFF, s24;
	v17 =	vadd.s32 $0xFFFFFFFF, v6;
	v8 =	vadd.s32 v8, v16;
	vm0 =	vlt.f32 v13, v9  }
0x49: {  	vm1 =	vlt.f32 v14, v5;
	v13 =	vadd.s32 v8, v17;
	v14 =	vnsel vm0, $0x0, v7  }
0x4a: {  	v16 =	vnsel vm1, $0x0, v7;
	vm0 =	vlt.f32 v15, v3;
	v10 =	vadd.s32 v10, v14  }
0x4b: {  	v12 =	vadd.s32 v12, v16;
	v15 =	vnsel vm0, $0x0, v7;
	v7 =	vmovc v6;
	v14 =	vadd.s32 v10, v17  }
0x4c: {  	v16 =	vadd.s32 v12, v17;
	v11 =	vadd.s32 v11, v15  }
0x4d: {  	v15 =	vadd.s32 v11, v17  }
0x4e: {  	v17 =	vld.idx.msk [tilespmem:v13+s2+$0x0], $0xffff;
	_ =	sdelay $0x1  }
0x4f: {  	v13 =	vld.idx.msk [tilespmem:v14+s2+$0x0], $0xffff  }
.Ltmp2:
0x50: {  	v14 =	vld.idx.msk [tilespmem:v16+s2+$0x0], $0xffff;
	(pc) =	sbr.rel @p1 .LBB2_3-.Ltmp2, $3  }
0x51: {  	v15 =	vld.idx.msk [tilespmem:v15+s2+$0x0], $0xffff;
	_ =	sdelay $0x1  }
0x52: {  	vm0 =	vlt.f32 v17, v4  }
0x53: {  	v6 =	vshrl.u32 v6, $0x1;
	v16 =	vnsel vm0, $0x0, v7  }
0x54: {  	vm0 =	vlt.f32 v14, v5  }
0x55: {  	v14 =	vnsel vm0, $0x0, v7  }
0x56: {  	v17 =	vadd.s32 $0xFFFFFFFF, v6;
	v12 =	vadd.s32 v12, v14  }
0x57: {  	vm0 =	vlt.f32 v15, v3;
	v14 =	vadd.s32 v12, v17  }
0x58: {  	v15 =	vnsel vm0, $0x0, v7  }
0x59: {  	v11 =	vadd.s32 v11, v15  }
0x5a: {  	vm0 =	vlt.f32 v13, v9;
	v15 =	vadd.s32 v11, v17  }
0x5b: {  	v8 =	vadd.s32 v8, v16;
	v7 =	vnsel vm0, $0x0, v7  }
0x5c: {  	v16 =	vadd.s32 v8, v17;
	v7 =	vadd.s32 v10, v7;
	v14 =	vld.idx.msk [tilespmem:v14+s2+$0x0], $0xffff  }
0x5d: {  	v10 =	vadd.s32 v7, v17;
	_ =	sdelay $0x1  }
0x5e: {  	v13 =	vld.idx.msk [tilespmem:v15+s2+$0x0], $0xffff;
	_ =	sdelay $0x1  }
0x5f: {  	v15 =	vld.idx.msk [tilespmem:v16+s2+$0x0], $0xffff;
	vm0 =	vlt.f32 v14, v5  }
0x60: {  	v10 =	vld.idx.msk [tilespmem:v10+s2+$0x0], $0xffff;
	v14 =	vnsel vm0, $0x0, v6  }
0x61: {  	v12 =	vadd.s32 v12, v14  }
0x62: {  	vm0 =	vlt.f32 v13, v3;
	v13 =	vadd.s32 $0xFFFFFFFF, v12  }
0x63: {  	v14 =	vnsel vm0, $0x0, v6;
	vm0 =	vgt.s32 v13, $0x0  }
0x64: {  	vm1 =	vlt.f32 v15, v4;
	v11 =	vadd.s32 v11, v14;
	v13 =	vnsel vm0, $0x0, v13  }
0x65: {  	v14 =	vnsel vm1, $0x0, v6;
	vm1 =	vlt.f32 v10, v9;
	v15 =	vadd.s32 $0xFFFFFFFF, v11  }
0x66: {  	v16 =	vadd.s32 v8, v14;
	v6 =	vnsel vm1, $0x0, v6;
	vm0 =	vgt.s32 v15, $0x0  }
0x67: {  	v8 =	vadd.s32 $0xFFFFFFFF, v16;
	v19 =	vadd.s32 v7, v6;
	v15 =	vnsel vm0, $0x0, v15  }
0x68: {  	vm0 =	vgt.s32 v8, $0x0;
	v6 =	vadd.s32 $0xFFFFFFFF, v19;
	v18 =	vld.idx.msk [tilespmem:v12+s2+$0x0], $0xffff  }
0x69: {  	v10 =	vnsel vm0, $0x0, v8;
	vm0 =	vgt.s32 v6, $0x0;
	v17 =	vld.idx.msk [tilespmem:v13+s2+$0x0], $0xffff  }
0x6a: {  	v23 =	vnsel vm0, $0x0, v6  }
0x6b: {  	v21 =	vld.idx.msk [tilespmem:v11+s2+$0x0], $0xffff  }
0x6c: {  	v20 =	vld.idx.msk [tilespmem:v15+s2+$0x0], $0xffff  }
0x6d: {  	v24 =	vld.idx.msk [tilespmem:v16+s2+$0x0], $0xffff  }
0x6e: {  	v22 =	vld.idx.msk [tilespmem:v10+s2+$0x0], $0xffff;
	v6 =	vsub.f32 v5, v17;
	v5 =	vsub.f32 v5, v18  }
0x6f: {  	v25 =	vld.idx.msk [tilespmem:v23+s2+$0x0], $0xffff  }
0x70: {  	v7 =	vmul.f32 v6, v6;
	v8 =	vmul.f32 v5, v5  }
0x71: {  	v5 =	vsub.f32 v3, v20;
	v6 =	vsub.f32 v3, v21  }
0x72: {  	v27 =	vld.idx.msk [tilespmem:v19+s2+$0x0], $0xffff;
	vm0 =	vle.f32 v7, v8  }
0x73: {  	v3 =	vmul.f32 v5, v5;
	v6 =	vmul.f32 v6, v6;
	v5 =	vsub.f32 v4, v22  }
0x74: {  	v26 =	vsub.f32 v4, v24;
	v14 =	vsel vm0, v13, v12;
	v13 =	vsub.f32 v9, v25  }
0x75: {  	vm1 =	vle.f32 v3, v6;
	v4 =	vmul.f32 v5, v5;
	v12 =	vadd.s32 $0xFFFFFFFF, v14  }
0x76: {  	v5 =	vmul.f32 v26, v26;
	v11 =	vsel vm1, v15, v11;
	vm3 =	vgt.s32 v12, $0x0  }
0x77: {  	v15 =	vsub.f32 v9, v27;
	v62 =	vnsel vm3, $0x0, v12;
	v28 =	vadd.s32 $0xFFFFFFFF, v11  }
0x78: {  	v9 =	vmul.f32 v13, v13;
	vm2 =	vle.f32 v4, v5;
	vm3 =	vgt.s32 v28, $0x0  }
0x79: {  	v12 =	vsel vm2, v10, v16;
	v10 =	vmul.f32 v15, v15;
	v15 =	vnsel vm3, $0x0, v28  }
0x7a: {  	v16 =	vadd.s32 $0xFFFFFFFF, v12  }
0x7b: {  	vm3 =	vle.f32 v9, v10;
	vm4 =	vgt.s32 v16, $0x0  }
0x7c: {  	v13 =	vsel vm3, v23, v19;
	v16 =	vnsel vm4, $0x0, v16;
	v19 =	vld.idx.msk [tilespmem:v62+s2+$0x0], $0xffff  }
0x7d: {  	v23 =	vadd.s32 $0xFFFFFFFF, v13  }
0x7e: {  	vm4 =	vgt.s32 v23, $0x0;
	v63 =	vld.idx.msk [tilespmem:v15+s2+$0x0], $0xffff  }
0x7f: {  	v23 =	vnsel vm4, $0x0, v23  }
0x80: {  	v15 =	vsel vm0, v17, v18  }
0x81: {  	vm4 =	vgt.s32 v14, $0x0;
	v18 =	vld.idx.msk [tilespmem:v16+s2+$0x0], $0xffff;
	vm0 =	veq.f32 v19, v15  }
0x82: {  	v16 =	vsel vm1, v20, v21;
	vm0 =	vmand vm4, vm0  }
0x83: {  	vm4 =	vgt.s32 v11, $0x0;
	vm1 =	veq.f32 v63, v16;
	v17 =	vsel vm0, $0x3F800000, v1  }
0x84: {  	v19 =	vld.idx.msk [tilespmem:v23+s2+$0x0], $0xffff;
	(xrf0) =	vmax.scan.msk.f32 $0xffff, v17;
	vm1 =	vmand vm4, vm1  }
0x85: {  	v17 =	vsel vm2, v22, v24;
	v20 =	vsel vm1, $0x3F800000, v1  }
0x86: {  	vm4 =	vgt.s32 v12, $0x0;
	vm2 =	veq.f32 v18, v17;
	(xrf0) =	vmax.scan.msk.f32 $0xffff, v20  }
0x87: {  	vm2 =	vmand vm4, vm2  }
0x88: {  	v18 =	vsel vm3, v25, v27;
	v20 =	vsel vm2, $0x3F800000, v1  }
0x89: {  	vm4 =	vgt.s32 v13, $0x0;
	vm3 =	veq.f32 v19, v18;
	(xrf0) =	vmax.scan.msk.f32 $0xffff, v20  }
0x8a: {  	vm3 =	vmand vm3, vm4;
	v19, _, _ =	vpop (xrf0)  }
0x8b: {  	(v2sf) =	vpush v19, $0xF;
	v19 =	vsel vm3, $0x3F800000, v1  }
0x8c: {  	v20, _, _ =	vpop (xrf0);
	(xrf0) =	vmax.scan.msk.f32 $0xffff, v19  }
0x8d: {  	(v2sf) =	vpush v20, $0xF;
	_ =	sdelay $0x1  }
0x8e: {  	v19, _, _ =	vpop (xrf0)  }
0x8f: {  	(v2sf) =	vpush v19, $0xF;
	_ =	sdelay $0x1  }
0x90: {  	v19, _, _ =	vpop (xrf0)  }
0x91: {  	(v2sf) =	vpush v19, $0xF;
	_ =	sdelay $0x6  }
0x92: {  	s24 =	spop (v2sf)  }
0x93: {  	p2 =	sgt.f32 s24, $0.0e+00  }
0x94: {  	s24 =	spop (v2sf)  }
0x95: {  	p1 =	sgt.f32 @!p2 s24, $0.0e+00;
	_ =	sdelay $0x1  }
0x96: {  	s24 =	spop (v2sf);
	p3 =	por p2, p1  }
0x97: {  	p1 =	sgt.f32 @!p3 s24, $0.0e+00;
	_ =	sdelay $0x1  }
0x98: {  	s24 =	spop (v2sf);
	p1 =	por p3, p1  }
0x99: {  	p4 =	sgt.f32 @!p1 s24, $0.0e+00;
	_ =	sdelay $0x1  }
0x9a: {  	p4 =	por p1, p4  }
.Ltmp3:
0x9b: {  	_ = 	snop;
	(pc) =	sbr.rel @!p4 .LBB2_11-.Ltmp3, $1  }
0x9c: {  	_ =	sdelay $0x3  }
0x9d: {  	s24 =	simm.s32 $0xE  }
0x9e: {  	s24 =	simm.s32 @p2 $0xE  }
0x9f: {  	s24 =	simm.s32 @!p3 $0xE  }
0xa0: {  	s24 =	simm.s32 @!p1 $0xE  }
0xa1: {  	v19 =	vpsel p2, $0x2000, v2;
	v20 =	vpsel p2, $0x0, v0;
	p2 =	sne.s32 s24, $0x1  }
.Ltmp4:
0xa2: {  	_ = 	snop;
	(pc) =	sbr.rel @!p2 .LBB2_6-.Ltmp4, $4  }
0xa3: {  	_ = 	snop  }
0xa4: {  	v19 =	vpsel !p3, $0x2000, v19;
	v21 =	vpsel !p3, $0x0, v20  }
0xa5: {  	v23 =	vpsel !p1, $0x2000, v19;
	v20 =	vpsel !p1, $0x0, v21  }
0xa6: {  	v24 =	vpsel !p1, $0x0, v21;
	v19 =	vpsel !p1, $0x0, v21;
	v21 =	vpsel !p1, $0x0, v21;
	p1 =	por $0x0, $0x0;
	s24 =	sadd.s32 $0xFFFFFFFF, s24  }
0xa7: {  	v22 =	vadd.s32 $0xFFFFFFFF, v23  }
0xa8: {  	v25 =	vadd.s32 v24, v22;
	_ =	sdelay $0x1  }
0xa9: {  	v26 =	vadd.s32 v20, v22  }
0xaa: {  	v27 =	vadd.s32 v21, v22  }
0xab: {  	v22 =	vadd.s32 v19, v22  }
0xac: {  	v25 =	vld.idx.msk [tilespmem:v25+s2+$0x0], $0xffff  }
0xad: {  	p2 =	sne.s32 s24, $0x1  }
.Ltmp5:
0xae: {  	v31 =	vld.idx.msk [tilespmem:v26+s2+$0x0], $0xffff;
	(pc) =	sbr.rel @!p2 .LBB2_8-.Ltmp5, $4  }
0xaf: {  	v29 =	vld.idx.msk [tilespmem:v27+s2+$0x0], $0xffff  }
0xb0: {  	v30 =	vld.idx.msk [tilespmem:v22+s2+$0x0], $0xffff  }
0xb1: {  	v28 =	vmov v24;
	vm4 =	vlt.f32 v25, v17  }
0xb2: {  	s24 =	sadd.s32 $0xFFFFFFFF, s24;
	p1 =	por $0x1, $0x1;
	v22 =	vshrl.u32 v23, $0x1;
	v27 =	vmovc v21;
	v26 =	vmovc v19;
	v25 =	vmov v20;
	v32 =	vnsel vm4, $0x0, v23  }
.LBB2_9:
0xb3: {  	p2 =	sne.s32 s24, $0x1;
	s24 =	sadd.s32 $0xFFFFFFFF, s24;
	v33 =	vadd.s32 $0xFFFFFFFF, v22;
	v28 =	vadd.s32 v28, v32;
	vm4 =	vlt.f32 v31, v18  }
0xb4: {  	vm5 =	vlt.f32 v29, v15;
	v31 =	vadd.s32 v28, v33;
	v29 =	vnsel vm4, $0x0, v23  }
0xb5: {  	v32 =	vnsel vm5, $0x0, v23;
	vm4 =	vlt.f32 v30, v16;
	v25 =	vadd.s32 v25, v29  }
0xb6: {  	v27 =	vadd.s32 v27, v32;
	v30 =	vnsel vm4, $0x0, v23;
	v23 =	vmovc v22;
	v29 =	vadd.s32 v25, v33  }
0xb7: {  	v32 =	vadd.s32 v27, v33;
	v26 =	vadd.s32 v26, v30  }
0xb8: {  	v30 =	vadd.s32 v26, v33  }
0xb9: {  	v33 =	vld.idx.msk [tilespmem:v31+s2+$0x0], $0xffff;
	_ =	sdelay $0x1  }
0xba: {  	v31 =	vld.idx.msk [tilespmem:v29+s2+$0x0], $0xffff  }
.Ltmp6:
0xbb: {  	v29 =	vld.idx.msk [tilespmem:v32+s2+$0x0], $0xffff;
	(pc) =	sbr.rel @p2 .LBB2_9-.Ltmp6, $3  }
0xbc: {  	v30 =	vld.idx.msk [tilespmem:v30+s2+$0x0], $0xffff;
	_ =	sdelay $0x1  }
0xbd: {  	vm4 =	vlt.f32 v33, v17  }
0xbe: {  	v22 =	vshrl.u32 v22, $0x1;
	v32 =	vnsel vm4, $0x0, v23  }
.Ltmp7:
0xbf: {  	_ = 	snop;
	(pc) =	sbr.rel .LBB2_10-.Ltmp7, $1  }
0xc0: {  	_ =	sdelay $0x3  }
.LBB2_8:
.Ltmp8:
0xc1: {  	(pc) =	sbr.rel .LBB2_10-.Ltmp8, $2  }
0xc2: {  	_ =	sdelay $0x2  }
0xc3: {  	v28 =	vmovc v24;
	v25 =	vmov v20;
	v27 =	vmov v21;
	v26 =	vmov v19  }
.LBB2_12:
0xc4: {  	[tilespmem:s15], [sflag:$0x3] =	stream.indirect.gather [hbm4b:s1+s13], $0x1, s14, s13, $0xb8;
	[tilespmem:$0x8300] =	vst v63  }
0xc5: {  	_ =	swait.ge [sflag:s11], $0x80  }
0xc6: {  	[sflag:s11] =	ssyncset.done $0x0  }
0xc7: {  	[sflag:s11] =	ssyncadd.s32 $0xFFFFFF80  }
0xc8: {  	_ =	swait.ge [sflag:s16], $0x4000  }
0xc9: {  	[sflag:s16] =	ssyncset.done $0x0  }
0xca: {  	s20 =	simm.s32 $0x0;
	s21 =	simm.s32 $0x0;
	[sflag:s16] =	ssyncadd.s32 $0xFFFFC000  }
.LBB2_13:
0xcb: {  	s22 =	sshll.u32 s21, $0x5  }
0xcc: {  	v4 =	vld [tilespmem:s22+$0x8180];
	_ =	sdelay $0x1  }
0xcd: {  	v3 =	vld [tilespmem:s22+$0x8190];
	_ =	sdelay $0x1  }
0xce: {  	s23 =	simm.s32 $0x1  }
0xcf: {  	s24 =	simm.s32 $0x2;
	v10 =	vadd.s32 s23, v4  }
0xd0: {  	v14 =	vadd.s32 s24, v4  }
0xd1: {  	s28 =	simm.s32 $0x6;
	v16 =	vadd.s32 s23, v3  }
0xd2: {  	v5 =	vld [tilespmem:s22+$0x8000];
	v13 =	vadd.s32 s28, v4  }
0xd3: {  	s25 =	simm.s32 $0x3;
	v7 =	vld [tilespmem:s22+$0x8010];
	v17 =	vadd.s32 s24, v3  }
0xd4: {  	v19 =	vadd.s32 s25, v4;
	v18 =	vld.idx.msk [tilespmem:v10+s2+$0x0], $0xffff  }
0xd5: {  	s30 =	simm.s32 $0x5;
	v20 =	vadd.s32 s25, v3;
	v22 =	vld.idx.msk [tilespmem:v14+s2+$0x0], $0xffff  }
0xd6: {  	v23 =	vadd.s32 s30, v4;
	v26 =	vld.idx.msk [tilespmem:v16+s2+$0x0], $0xffff  }
0xd7: {  	s29 =	simm.s32 $0x4;
	v35 =	vadd.s32 s20, v3;
	v29 =	vld.idx.msk [tilespmem:v13+s2+$0x0], $0xffff  }
0xd8: {  	v27 =	vadd.s32 s29, v3;
	v31 =	vld.idx.msk [tilespmem:v17+s2+$0x0], $0xffff  }
0xd9: {  	v24 =	vadd.s32 s30, v3;
	v15 =	vadd.s32 $0x4000, v19;
	v19 =	vld.idx.msk [tilespmem:v19+s2+$0x0], $0xffff  }
0xda: {  	v39 =	vadd.s32 $0x4000, v20;
	v20 =	vld.idx.msk [tilespmem:v20+s2+$0x0], $0xffff  }
0xdb: {  	v41 =	vld.idx.msk [tilespmem:v23+s2+$0x0], $0xffff  }
0xdc: {  	v34 =	vadd.s32 s20, v4;
	v37 =	vadd.s32 $0x4000, v35;
	v35 =	vld.idx.msk [tilespmem:v35+s2+$0x0], $0xffff  }
0xdd: {  	v25 =	vadd.s32 s28, v3;
	v32 =	vadd.s32 $0x4000, v17;
	v17 =	vadd.s32 $0x4000, v27;
	v27 =	vld.idx.msk [tilespmem:v27+s2+$0x0], $0xffff  }
0xde: {  	v38 =	vadd.s32 $0x4000, v14;
	v14 =	vadd.s32 $0x4000, v24;
	v24 =	vld.idx.msk [tilespmem:v24+s2+$0x0], $0xffff  }
0xdf: {  	v30 =	vadd.s32 $0x4000, v16;
	v16 =	vsub.f32 v5, v18;
	v22 =	vsub.f32 v5, v22  }
0xe0: {  	s31 =	simm.s32 $0x7;
	v21 =	vadd.s32 s29, v4;
	v26 =	vsub.f32 v7, v26;
	v29 =	vsub.f32 v5, v29  }
0xe1: {  	v33 =	vadd.s32 s31, v3;
	v47 =	vld.idx.msk [tilespmem:v34+s2+$0x0], $0xffff;
	v19 =	vsub.f32 v5, v19;
	v20 =	vsub.f32 v7, v20  }
0xe2: {  	v28 =	vadd.s32 $0x4000, v10;
	v51 =	vld.idx.msk [tilespmem:v25+s2+$0x0], $0xffff;
	v49 =	vsub.f32 v5, v41;
	v35 =	vsub.f32 v7, v35  }
0xe3: {  	v6 =	vld [tilespmem:s22+$0x8200];
	v36 =	vadd.s32 $0x4000, v34;
	v27 =	vsub.f32 v7, v27;
	v24 =	vsub.f32 v7, v24  }
0xe4: {  	v8 =	vld [tilespmem:s22+$0x8210];
	v40 =	vmul.f32 v16, v16;
	v16 =	vadd.s32 $0x4000, v23;
	v26 =	vmul.f32 v26, v26  }
0xe5: {  	v23 =	vsub.f32 v7, v31;
	v29 =	vmul.f32 v29, v29;
	v22 =	vmul.f32 v22, v22  }
0xe6: {  	v9 =	vld [tilespmem:s22+$0x8280];
	v19 =	vmul.f32 v19, v19;
	v31 =	vsub.f32 v5, v47;
	v50 =	vmul.f32 v35, v35  }
0xe7: {  	v10 =	vld [tilespmem:s22+$0x8290];
	v20 =	vmul.f32 v20, v20;
	v27 =	vmul.f32 v27, v27;
	v35 =	vsub.f32 v7, v51  }
0xe8: {  	v24 =	vmul.f32 v24, v24;
	v48 =	vsub.f32 v6, v40;
	v23 =	vmul.f32 v23, v23  }
0xe9: {  	v26 =	vsub.f32 v8, v26;
	v40 =	vmul.f32 v49, v49;
	v19 =	vsub.f32 v6, v19  }
0xea: {  	v31 =	vmul.f32 v31, v31;
	v22 =	vsub.f32 v6, v22;
	v20 =	vsub.f32 v8, v20  }
0xeb: {  	v27 =	vsub.f32 v8, v27;
	v35 =	vmul.f32 v35, v35;
	v34 =	vmul.f32 v48, v9  }
0xec: {  	v29 =	vsub.f32 v6, v29;
	v26 =	vmul.f32 v26, v10;
	v19 =	vmul.f32 v19, v9  }
0xed: {  	v23 =	vsub.f32 v8, v23;
	v22 =	vmul.f32 v22, v9;
	v20 =	vmul.f32 v20, v10  }
0xee: {  	v18 =	vld.idx.msk [tilespmem:v21+s2+$0x0], $0xffff;
	v24 =	vsub.f32 v8, v24;
	v29 =	vmul.f32 v29, v9;
	v34 =	vmul.f32 $1.442695020e+00, v34  }
0xef: {  	v31 =	vsub.f32 v6, v31;
	v27 =	vmul.f32 v27, v10;
	v23 =	vmul.f32 v23, v10  }
0xf0: {  	v52 =	vld.idx.msk [tilespmem:v33+s2+$0x0], $0xffff;
	v24 =	vmul.f32 v24, v10;
	(erf) = vpow2.f32 v34;
	v34 =	vsub.f32 v8, v50  }
0xf1: {  	v31 =	vmul.f32 v31, v9;
	v23 =	vmul.f32 $1.442695020e+00, v23  }
0xf2: {  	v12 =	vadd.s32 s31, v4;
	v26 =	vmul.f32 $1.442695020e+00, v26;
	v34 =	vmul.f32 v34, v10  }
0xf3: {  	v18 =	vsub.f32 v5, v18;
	v31 =	vmul.f32 $1.442695020e+00, v31;
	(erf) = vpow2.f32 v23  }
0xf4: {  	(erf) = vpow2.f32 v26;
	v34 =	vmul.f32 $1.442695020e+00, v34  }
0xf5: {  	v53 =	vsub.f32 v7, v52;
	v18 =	vmul.f32 v18, v18;
	(erf) = vpow2.f32 v31  }
0xf6: {  	v35 =	vsub.f32 v8, v35;
	v22 =	vmul.f32 $1.442695020e+00, v22;
	(erf) = vpow2.f32 v34  }
0xf7: {  	v19 =	vmul.f32 $1.442695020e+00, v19;
	v20 =	vmul.f32 $1.442695020e+00, v20;
	v18 =	vsub.f32 v6, v18;
	v23 =	vld.idx.msk [tilespmem:v12+s2+$0x0], $0xffff  }
0xf8: {  	v35 =	vmul.f32 v35, v10;
	v27 =	vmul.f32 $1.442695020e+00, v27;
	v26 =	vsub.f32 v6, v40  }
0xf9: {  	v11 =	vimm.f32 $0.0e+00;
	v18 =	vmul.f32 v18, v9;
	v31 =	vmul.f32 v53, v53  }
0xfa: {  	v43 =	vadd.s32 $0x4000, v25;
	v24 =	vmul.f32 $1.442695020e+00, v24;
	v26 =	vmul.f32 v26, v9  }
0xfb: {  	v54 =	vld.idx.msk [tilespmem:v36+s2+$0x0], $0xffff;
	v29 =	vmul.f32 $1.442695020e+00, v29;
	v18 =	vmul.f32 $1.442695020e+00, v18;
	v31 =	vsub.f32 v8, v31;
	v55 =	vpop (erf)  }
0xfc: {  	v37 =	vld.idx.msk [tilespmem:v37+s2+$0x0], $0xffff;
	v23 =	vsub.f32 v5, v23;
	v26 =	vmul.f32 $1.442695020e+00, v26;
	v56 =	vpop (erf);
	(erf) = vpow2.f32 v22  }
0xfd: {  	v33 =	vadd.s32 $0x4000, v33;
	v31 =	vmul.f32 v31, v10;
	v57 =	vpop (erf);
	(erf) = vpow2.f32 v19;
	v19 =	vld.idx.msk [tilespmem:v28+s2+$0x0], $0xffff  }
0xfe: {  	v13 =	vadd.s32 $0x4000, v13;
	v23 =	vmul.f32 v23, v23;
	v42 =	vpop (erf);
	(erf) = vpow2.f32 v26  }
0xff: {  	v60 =	vld.idx.msk [tilespmem:v32+s2+$0x0], $0xffff;
	v21 =	vadd.s32 $0x4000, v21;
	v61 =	vmul.f32 $1.442695020e+00, v31;
	v25 =	vpop (erf);
	(erf) = vpow2.f32 v20  }
0x100: {  	v23 =	vsub.f32 v6, v23;
	v26 =	vld.idx.msk [tilespmem:v30+s2+$0x0], $0xffff;
	v22 =	vmul.f32 v42, v54;
	(erf) = vpow2.f32 v27  }
0x101: {  	v62 =	vld.idx.msk [tilespmem:v38+s2+$0x0], $0xffff;
	v59 =	vadd.f32 v42, v11;
	v58 =	vmul.f32 v25, v37;
	(erf) = vpow2.f32 v18  }
0x102: {  	v22 =	vadd.f32 v22, v11;
	v18 =	vmul.f32 v55, v19;
	v19 =	vmul.f32 $1.442695020e+00, v35  }
0x103: {  	v15 =	vld.idx.msk [tilespmem:v15+s2+$0x0], $0xffff;
	v20 =	vadd.f32 v58, v11;
	v11 =	vadd.f32 v25, v11;
	(erf) = vpow2.f32 v24  }
0x104: {  	v12 =	vadd.s32 $0x4000, v12;
	v28 =	vmul.f32 v56, v60;
	v23 =	vmul.f32 v23, v9  }
0x105: {  	v27 =	vadd.f32 v55, v59;
	v25 =	vld.idx.msk [tilespmem:v39+s2+$0x0], $0xffff;
	v24 =	vadd.f32 v57, v11;
	v11 =	vmul.f32 v57, v26;
	v26 =	vpop (erf)  }
0x106: {  	v16 =	vld.idx.msk [tilespmem:v16+s2+$0x0], $0xffff;
	(erf) = vpow2.f32 v29;
	v18 =	vadd.f32 v18, v22;
	v22 =	vmul.f32 v26, v62  }
0x107: {  	v17 =	vld.idx.msk [tilespmem:v17+s2+$0x0], $0xffff;
	v23 =	vmul.f32 $1.442695020e+00, v23;
	(erf) = vpow2.f32 v19;
	v19 =	vpop (erf);
	v20 =	vadd.f32 v11, v20  }
0x108: {  	v14 =	vld.idx.msk [tilespmem:v14+s2+$0x0], $0xffff;
	v27 =	vadd.f32 v26, v27;
	v26 =	vmul.f32 v19, v15;
	v15 =	vpop (erf);
	v18 =	vadd.f32 v22, v18  }
0x109: {  	(erf) = vpow2.f32 v61;
	v22 =	vadd.f32 v56, v24;
	v24 =	vpop (erf);
	v28 =	vadd.f32 v28, v20;
	v20 =	vld.idx.msk [tilespmem:v21+s2+$0x0], $0xffff  }
0x10a: {  	(erf) = vpow2.f32 v23;
	v27 =	vadd.f32 v19, v27;
	v63 =	vmul.f32 v24, v25;
	v25 =	vpop (erf)  }
0x10b: {  	v11 =	vld.idx.msk [tilespmem:v33+s2+$0x0], $0xffff;
	v19 =	vadd.f32 v26, v18;
	v26 =	vadd.f32 v24, v22;
	v18 =	vmul.f32 v15, v16;
	v24 =	vpop (erf)  }
0x10c: {  	s23 =	sor.u32 $0x80, s22;
	s24 =	simm.s32 $0x8;
	s22 =	sor.u32 $0x90, s22;
	v16 =	vld.idx.msk [tilespmem:v43+s2+$0x0], $0xffff;
	v21 =	vmul.f32 v25, v17;
	v22 =	vadd.f32 v63, v28;
	v23 =	vadd.f32 v24, v27;
	v17 =	vpop (erf)  }
.LBB2_14:
0x10d: {  	s26 =	sadd.s32 $0x1, s24  }
0x10e: {  	p0 =	slt.u32 s24, $0x78;
	v30 =	vmul.f32 v24, v20;
	v24 =	vadd.f32 v25, v26;
	v14 =	vmul.f32 v17, v14;
	s25 =	smov.u32 s24;
	s24 =	sadd.s32 $0x8, s24  }
0x10f: {  	v25 =	vadd.s32 s26, v4;
	v26 =	vadd.s32 s26, v3;
	s26 =	sadd.s32 $0x2, s25;
	s28 =	sadd.s32 $0x3, s25;
	v21 =	vadd.f32 v21, v22;
	v22 =	vld.idx.msk [tilespmem:v13+s2+$0x0], $0xffff;
	v27 =	vpop (erf)  }
0x110: {  	v29 =	vadd.s32 s26, v4;
	v28 =	vadd.s32 s26, v3;
	s26 =	sadd.s32 $0x4, s25;
	v13 =	vadd.f32 v30, v19;
	v20 =	vpop (erf)  }
0x111: {  	s29 =	sadd.s32 $0x5, s25;
	s30 =	sadd.s32 $0x6, s25;
	v23 =	vadd.f32 v15, v23;
	v30 =	vadd.s32 s28, v3;
	v19 =	vadd.s32 s26, v4;
	v31 =	vld.idx.msk [tilespmem:v12+s2+$0x0], $0xffff  }
0x112: {  	v32 =	vadd.s32 s29, v4;
	v33 =	vadd.s32 s29, v3;
	v34 =	vadd.f32 v18, v13  }
0x113: {  	v15 =	vadd.s32 s30, v3;
	v14 =	vadd.f32 v14, v21;
	v13 =	vadd.s32 s30, v4;
	v35 =	vpop (erf)  }
0x114: {  	v37 =	vadd.s32 s26, v3;
	v16 =	vmul.f32 v20, v16;
	v36 =	vld.idx.msk [tilespmem:v25+s2+$0x0], $0xffff;
	v11 =	vmul.f32 v35, v11;
	v38 =	vpop (erf)  }
0x115: {  	v39 =	vadd.s32 s28, v4;
	v17 =	vadd.f32 v17, v24;
	s26 =	sadd.s32 $0x7, s25;
	v22 =	vmul.f32 v27, v22  }
0x116: {  	v24 =	vadd.f32 v27, v23;
	v12 =	vadd.s32 s26, v4;
	v16 =	vadd.f32 v16, v14;
	v40 =	vld.idx.msk [tilespmem:v29+s2+$0x0], $0xffff  }
0x117: {  	v23 =	vadd.s32 $0x4000, v25;
	v17 =	vadd.f32 v20, v17;
	v14 =	vadd.s32 $0x4000, v39;
	v41 =	vld.idx.msk [tilespmem:v26+s2+$0x0], $0xffff  }
0x118: {  	v20 =	vadd.s32 $0x4000, v26;
	v25 =	vmul.f32 v38, v31;
	v18 =	vadd.f32 v11, v16;
	v42 =	vld.idx.msk [tilespmem:v13+s2+$0x0], $0xffff  }
0x119: {  	v21 =	vadd.s32 $0x4000, v28;
	v31 =	vadd.s32 s26, v3;
	v16 =	vadd.f32 v22, v34;
	v11 =	vld.idx.msk [tilespmem:v28+s2+$0x0], $0xffff  }
0x11a: {  	v27 =	vadd.f32 v38, v24;
	v34 =	vadd.s32 s25, v3;
	v26 =	vadd.s32 s25, v4;
	v39 =	vld.idx.msk [tilespmem:v39+s2+$0x0], $0xffff  }
0x11b: {  	v38 =	vadd.s32 $0x4000, v26;
	v36 =	vsub.f32 v5, v36;
	v28 =	vadd.f32 v25, v16;
	v43 =	vld.idx.msk [tilespmem:v19+s2+$0x0], $0xffff  }
0x11c: {  	v24 =	vadd.f32 v35, v17;
	v44 =	vadd.s32 $0x4000, v34;
	v25 =	vadd.s32 $0x4000, v29  }
0x11d: {  	v17 =	vadd.s32 $0x4000, v37;
	v22 =	vadd.s32 $0x4000, v30;
	v29 =	vsub.f32 v5, v40;
	v35 =	vld.idx.msk [tilespmem:v30+s2+$0x0], $0xffff  }
0x11e: {  	v16 =	vadd.s32 $0x4000, v32;
	v36 =	vmul.f32 v36, v36;
	v30 =	vsub.f32 v7, v41;
	v40 =	vld.idx.msk [tilespmem:v32+s2+$0x0], $0xffff  }
0x11f: {  	v41 =	vsub.f32 v5, v42;
	v11 =	vsub.f32 v7, v11;
	v32 =	vld.idx.msk [tilespmem:v26+s2+$0x0], $0xffff;
	v26 =	vadd.s32 $0x4000, v33  }
0x120: {  	v36 =	vsub.f32 v6, v36;
	v30 =	vmul.f32 v30, v30;
	v39 =	vsub.f32 v5, v39;
	v34 =	vld.idx.msk [tilespmem:v34+s2+$0x0], $0xffff  }
0x121: {  	v41 =	vmul.f32 v41, v41;
	v11 =	vmul.f32 v11, v11;
	v42 =	vsub.f32 v5, v43;
	v37 =	vld.idx.msk [tilespmem:v37+s2+$0x0], $0xffff  }
0x122: {  	v29 =	vmul.f32 v29, v29;
	v36 =	vmul.f32 v36, v9;
	v30 =	vsub.f32 v8, v30;
	v33 =	vld.idx.msk [tilespmem:v33+s2+$0x0], $0xffff  }
0x123: {  	v39 =	vmul.f32 v39, v39;
	v11 =	vsub.f32 v8, v11;
	v35 =	vsub.f32 v7, v35  }
0x124: {  	v36 =	vmul.f32 $1.442695020e+00, v36;
	v42 =	vmul.f32 v42, v42;
	v40 =	vsub.f32 v5, v40  }
0x125: {  	v30 =	vmul.f32 v30, v10;
	v32 =	vsub.f32 v5, v32;
	v11 =	vmul.f32 v11, v10  }
0x126: {  	v34 =	vsub.f32 v7, v34;
	v40 =	vmul.f32 v40, v40;
	(erf) = vpow2.f32 v36  }
0x127: {  	v32 =	vmul.f32 v32, v32;
	v36 =	vsub.f32 v7, v37;
	v37 =	vsub.f32 v6, v42;
	v42 =	vld.idx.msk [tilespmem:v15+s2+$0x0], $0xffff  }
0x128: {  	v39 =	vsub.f32 v6, v39;
	v34 =	vmul.f32 v34, v34;
	v33 =	vsub.f32 v7, v33  }
0x129: {  	v35 =	vmul.f32 v35, v35;
	v11 =	vmul.f32 $1.442695020e+00, v11;
	v32 =	vsub.f32 v6, v32  }
0x12a: {  	v30 =	vmul.f32 $1.442695020e+00, v30;
	v36 =	vmul.f32 v36, v36;
	v34 =	vsub.f32 v8, v34;
	v43 =	vld.idx.msk [tilespmem:v12+s2+$0x0], $0xffff  }
0x12b: {  	v29 =	vsub.f32 v6, v29;
	v32 =	vmul.f32 v32, v9;
	(erf) = vpow2.f32 v11  }
0x12c: {  	v11 =	vmul.f32 v34, v10;
	v34 =	vsub.f32 v6, v40;
	v40 =	vld.idx.msk [tilespmem:v31+s2+$0x0], $0xffff;
	(erf) = vpow2.f32 v30  }
0x12d: {  	v45 =	vmul.f32 $1.442695020e+00, v32;
	v32 =	vmul.f32 v37, v9;
	v37 =	vsub.f32 v7, v42  }
0x12e: {  	v35 =	vsub.f32 v8, v35;
	v36 =	vsub.f32 v8, v36;
	v11 =	vmul.f32 $1.442695020e+00, v11  }
0x12f: {  	v41 =	vsub.f32 v6, v41;
	v39 =	vmul.f32 v39, v9;
	(erf) = vpow2.f32 v45;
	v30 =	vpop (erf)  }
0x130: {  	v33 =	vmul.f32 v33, v33;
	v42 =	vsub.f32 v5, v43;
	(erf) = vpow2.f32 v11  }
0x131: {  	v31 =	vadd.s32 $0x4000, v31;
	v11 =	vmul.f32 v29, v9;
	v29 =	vmul.f32 v34, v9  }
0x132: {  	v35 =	vmul.f32 v35, v10;
	v40 =	vsub.f32 v7, v40;
	v34 =	vld.idx.msk [tilespmem:v38+s2+$0x0], $0xffff;
	v38 =	vmul.f32 v41, v9  }
0x133: {  	v33 =	vsub.f32 v8, v33;
	v43 =	vmul.f32 $1.442695020e+00, v11;
	v11 =	vmul.f32 v42, v42;
	v41 =	vld.idx.msk [tilespmem:v44+s2+$0x0], $0xffff  }
0x134: {  	v19 =	vadd.s32 $0x4000, v19;
	v37 =	vmul.f32 v37, v37;
	v40 =	vmul.f32 v40, v40;
	v42 =	vpop (erf)  }
0x135: {  	v39 =	vmul.f32 $1.442695020e+00, v39;
	v36 =	vmul.f32 v36, v10;
	v44 =	vsub.f32 v6, v11;
	v45 =	vpop (erf)  }
0x136: {  	v35 =	vmul.f32 $1.442695020e+00, v35;
	v32 =	vmul.f32 $1.442695020e+00, v32;
	v46 =	vsub.f32 v8, v37;
	v11 =	vld.idx.msk [tilespmem:v31+s2+$0x0], $0xffff  }
0x137: {  	v29 =	vmul.f32 $1.442695020e+00, v29;
	v31 =	vmul.f32 v33, v10;
	v33 =	vsub.f32 v8, v40  }
0x138: {  	v40 =	vadd.s32 $0x4000, v15;
	v15 =	vmul.f32 v46, v10;
	v37 =	vpop (erf);
	(erf) = vpow2.f32 v43  }
0x139: {  	v13 =	vadd.s32 $0x4000, v13;
	v34 =	vmul.f32 v37, v34;
	v23 =	vld.idx.msk [tilespmem:v23+s2+$0x0], $0xffff;
	v43 =	vpop (erf);
	(erf) = vpow2.f32 v39  }
0x13a: {  	v36 =	vmul.f32 $1.442695020e+00, v36;
	v27 =	vadd.f32 v37, v27;
	v37 =	vmul.f32 v43, v41  }
0x13b: {  	v33 =	vmul.f32 v33, v10;
	v28 =	vadd.f32 v34, v28;
	v20 =	vld.idx.msk [tilespmem:v20+s2+$0x0], $0xffff;
	(erf) = vpow2.f32 v29  }
0x13c: {  	v29 =	vmul.f32 $1.442695020e+00, v31;
	v18 =	vadd.f32 v37, v18;
	v21 =	vld.idx.msk [tilespmem:v21+s2+$0x0], $0xffff;
	(erf) = vpow2.f32 v35  }
0x13d: {  	v27 =	vadd.f32 v30, v27;
	v31 =	vmul.f32 $1.442695020e+00, v33;
	v25 =	vld.idx.msk [tilespmem:v25+s2+$0x0], $0xffff;
	(erf) = vpow2.f32 v36  }
0x13e: {  	v24 =	vadd.f32 v43, v24;
	v34 =	vmul.f32 $1.442695020e+00, v38;
	v33 =	vld.idx.msk [tilespmem:v14+s2+$0x0], $0xffff;
	(erf) = vpow2.f32 v32  }
0x13f: {  	v12 =	vadd.s32 $0x4000, v12;
	v23 =	vmul.f32 v30, v23;
	v14 =	vld.idx.msk [tilespmem:v26+s2+$0x0], $0xffff;
	(erf) = vpow2.f32 v29  }
0x140: {  	v15 =	vmul.f32 $1.442695020e+00, v15;
	v24 =	vadd.f32 v45, v24;
	v26 =	vmul.f32 v44, v9;
	v22 =	vld.idx.msk [tilespmem:v22+s2+$0x0], $0xffff  }
0x141: {  	v23 =	vadd.f32 v23, v28;
	v28 =	vmul.f32 v45, v20;
	v17 =	vld.idx.msk [tilespmem:v17+s2+$0x0], $0xffff;
	v20 =	vpop (erf);
	(erf) = vpow2.f32 v34  }
0x142: {  	v21 =	vmul.f32 v42, v21;
	v27 =	vadd.f32 v20, v27;
	v16 =	vld.idx.msk [tilespmem:v16+s2+$0x0], $0xffff;
	v29 =	vpop (erf);
	(erf) = vpow2.f32 v15  }
0x143: {  	v30 =	vmul.f32 v20, v25;
	v20 =	vld.idx.msk [tilespmem:v19+s2+$0x0], $0xffff;
	v19 =	vmul.f32 $1.442695020e+00, v26  }
.Ltmp9:
0x144: {  	v18 =	vadd.f32 v28, v18;
	v26 =	vmul.f32 v29, v33;
	v27 =	vadd.f32 v29, v27;
	v15 =	vpop (erf);
	(pc) =	sbr.rel @p0 .LBB2_14-.Ltmp9, $4  }
0x145: {  	v23 =	vadd.f32 v30, v23;
	v29 =	vadd.f32 v42, v24;
	v28 =	vpop (erf);
	(erf) = vpow2.f32 v31  }
0x146: {  	v18 =	vadd.f32 v21, v18;
	v22 =	vmul.f32 v28, v22;
	v25 =	vpop (erf);
	(erf) = vpow2.f32 v19  }
0x147: {  	v19 =	vadd.f32 v26, v23;
	v26 =	vadd.f32 v28, v29;
	v21 =	vmul.f32 v25, v17;
	v24 =	vpop (erf)  }
0x148: {  	v22 =	vadd.f32 v22, v18;
	v23 =	vadd.f32 v24, v27;
	v18 =	vmul.f32 v15, v16;
	v16 =	vld.idx.msk [tilespmem:v40+s2+$0x0], $0xffff;
	v17 =	vpop (erf)  }
0x149: {  	v27 =	vadd.s32 $0x80, v4  }
0x14a: {  	v28 =	vadd.s32 $0x80, v3;
	_ =	sdelay $0x3  }
0x14b: {  	v27 =	vld.idx.msk [tilespmem:v27+s2+$0x0], $0xffff  }
0x14c: {  	v28 =	vld.idx.msk [tilespmem:v28+s2+$0x0], $0xffff;
	_ =	sdelay $0x3  }
0x14d: {  	v5 =	vsub.f32 v5, v27  }
0x14e: {  	v7 =	vsub.f32 v7, v28  }
0x14f: {  	v5 =	vmul.f32 v5, v5  }
0x150: {  	v7 =	vmul.f32 v7, v7  }
0x151: {  	v5 =	vsub.f32 v6, v5  }
0x152: {  	v48 =	vsub.f32 v8, v7  }
0x153: {  	v5 =	vmul.f32 v5, v9  }
0x154: {  	v6 =	vmul.f32 v48, v10  }
0x155: {  	v5 =	vmul.f32 $1.442695020e+00, v5  }
0x156: {  	v6 =	vmul.f32 $1.442695020e+00, v6  }
0x157: {  	(erf) = vpow2.f32 v5  }
0x158: {  	(erf) = vpow2.f32 v6;
	_ =	sdelay $0x1  }
0x159: {  	v49 =	vadd.f32 v25, v26  }
0x15a: {  	v50 =	vpop (erf);
	v51 =	vadd.f32 v15, v23  }
0x15b: {  	v52 =	vpop (erf);
	v5 =	vadd.f32 v17, v49  }
0x15c: {  	v53 =	vpop (erf);
	v7 =	vadd.f32 v50, v51  }
0x15d: {  	v54 =	vpop (erf);
	v5 =	vadd.f32 v52, v5  }
0x15e: {  	v55 =	vadd.s32 $0x4080, v4;
	v7 =	vadd.f32 v54, v7  }
0x15f: {  	v13 =	vld.idx.msk [tilespmem:v13+s2+$0x0], $0xffff;
	v3 =	vadd.s32 $0x4080, v3;
	v5 =	vadd.f32 v53, v5;
	v56 =	vpop (erf)  }
0x160: {  	v20 =	vmul.f32 v24, v20;
	v57 =	vpop (erf);
	v7 =	vadd.f32 v56, v7  }
0x161: {  	v12 =	vld.idx.msk [tilespmem:v12+s2+$0x0], $0xffff;
	v5 =	vadd.f32 v57, v5  }
0x162: {  	v19 =	vadd.f32 v20, v19;
	(erf) = vrcp.f32 v7  }
0x163: {  	v58 =	vmul.f32 v17, v14;
	v59 =	vadd.f32 v21, v22;
	v4 =	vld.idx.msk [tilespmem:v55+s2+$0x0], $0xffff;
	(erf) = vrcp.f32 v5  }
0x164: {  	v60 =	vadd.f32 v18, v19;
	v3 =	vld.idx.msk [tilespmem:v3+s2+$0x0], $0xffff;
	v6 =	vmul.f32 v50, v13  }
0x165: {  	v8 =	vmul.f32 v52, v16;
	v7 =	vadd.f32 v58, v59  }
0x166: {  	v10 =	vmul.f32 v54, v12;
	v5 =	vadd.f32 v6, v60  }
0x167: {  	v61 =	vmul.f32 v53, v11;
	v7 =	vadd.f32 v8, v7  }
0x168: {  	v4 =	vmul.f32 v56, v4;
	v5 =	vadd.f32 v10, v5  }
0x169: {  	s21 =	sadd.s32 $0x1, s21;
	v3 =	vmul.f32 v57, v3;
	v6 =	vadd.f32 v61, v7  }
0x16a: {  	p0 =	sne.s32 s21, $0x4;
	v4 =	vadd.f32 v4, v5  }
.Ltmp10:
0x16b: {  	v3 =	vadd.f32 v3, v6;
	v62 =	vpop (erf);
	(pc) =	sbr.rel @p0 .LBB2_13-.Ltmp10, $4  }
0x16c: {  	v4 =	vmul.f32 v62, v4;
	v63 =	vpop (erf)  }
0x16d: {  	v3 =	vmul.f32 v63, v3  }
0x16e: {  	[tilespmem:s23+$0x8000] =	vst v4  }
0x16f: {  	[tilespmem:s22+$0x8000] =	vst v3  }
0x170: {  	s19 =	sadd.s32 $0x1, s19  }
0x171: {  	p0 =	sne.s32 s19, s8  }
.Ltmp11:
0x172: {  	_ = 	snop;
	(pc) =	sbr.rel @p0 .LBB2_1-.Ltmp11, $4  }
0x173: {  	[hbm4b:s7+s2] =	stream.linear.scatter [tilespmem:s17], [sflag:$0x4], $0x80, $0x38;
	[tilespmem:$0x8300] =	vst v63  }
0x174: {  	_ =	swait.ge [sflag:s18], $0x80  }
0x175: {  	[sflag:s18] =	ssyncset.done $0x0  }
0x176: {  	[sflag:s18] =	ssyncadd.s32 $0xFFFFFF80  }
0x177: {  	_ =	sfence.sel $0x180000  }
0x178: {  	[bflag:$0x0] =	sbarrier.arrive $0xFFFF  }
0x179: {  	p0 =	sne.s32 s3, $0x0;
	_ =	strace $0x90000047  }
0x17a: {  	s0 =	sadd.s32 @!p0 $0x100000, s0;
	[bflag:$0x2] =	sbarrier.arrive $0xFFFF  }
0x17b: {  	[sflag:s0] =	ssyncadd.tile.s32 @!p0 $0x1;
	_ =	shalt  }
.Lfunc_end2:
_tile_overlayer_lowered:
.L_overlay_start_2:
0x17c: {  	(tag) =	ssettag $0x2  }
0x17d: {  	s0 =	rddreg [dreg:$0x0];
	s2 =	stileid.u32  }
0x17e: {  	s1 =	rddreg [dreg:$0x1];
	p0 =	sne.s32 s2, $0x0  }
0x17f: {  	s3 =	rddreg [dreg:$0x2];
	[bflag:$0x3] =	sbarrier.arrive $0xFFFF;
	s2 =	simm.s32 @!p0 $0x1C04  }
0x180: {  	[timem:s3], [sflag:s2] =	dma.local @!p0 [hbm:s0], s1  }
0x181: {  	s0 =	simm.s32 @!p0 $0x4  }
0x182: {  	_ =	swait.ge @!p0 [sflag:s0], s1  }
0x183: {  	s1 =	ssub.s32 @!p0 $0x0, s1;
	[sflag:s0] =	ssyncset.done @!p0 $0x0  }
0x184: {  	[sflag:s0] =	ssyncadd.s32 @!p0 s1  }
0x185: {  	[bflag:$0x3] =	sbarrier.arrive $0xFFFF  }
0x186: {  	_ =	shalt  }

</sc_bundles>
